<compile_context>
chip_gen: v7x
topology: tpu7x:2x2x1
jax: 0.10.2.dev20260603
libtpu: 0.0.44.dev20260713+nightly
codegen_flags: <defaults>
</compile_context>

<pallas_src>
import jax
import jax.numpy as jnp
from jax import lax
from jax.experimental import pallas as pl
from jax.experimental.pallas import tpu as pltpu
from jax.experimental.pallas import tpu_sc as plsc

BATCH = 16384
EMBED_DIM = 32
NC = 2
NS = 16
NW = NC * NS
BPW = BATCH // NW
GCH = 128


def _sc_body(uidx_hbm, pidx_hbm, uemb_hbm, ub_hbm, pemb_hbm, pb_hbm,
             partials_hbm, bsum_hbm,
             uidx_v, pidx_v, urows_v, prows_v, ubv, pbv, bsumv, accv, sems):
    wid = lax.axis_index("c") * NS + lax.axis_index("s")
    base = wid * BPW
    pltpu.sync_copy(uidx_hbm.at[pl.ds(base, BPW)], uidx_v)
    pltpu.sync_copy(pidx_hbm.at[pl.ds(base, BPW)], pidx_v)

    bias_cps = []
    for j in range(BPW // GCH):
        s = pl.ds(j * GCH, GCH)
        bias_cps.append(pltpu.async_copy(ub_hbm.at[uidx_v.at[s]], ubv.at[s], sems.at[2]))
        bias_cps.append(pltpu.async_copy(pb_hbm.at[pidx_v.at[s]], pbv.at[s], sems.at[2]))

    def fire(c, buf):
        s = pl.ds(c * GCH, GCH)
        pltpu.async_copy(uemb_hbm.at[uidx_v.at[s]], urows_v.at[buf], sems.at[buf])
        pltpu.async_copy(pemb_hbm.at[pidx_v.at[s]], prows_v.at[buf], sems.at[buf])

    fire(0, 0)

    def chunk_body(c, acc):
        buf = lax.rem(c, 2)

        @pl.when(c + 1 < BPW // GCH)
        def _():
            fire(c + 1, lax.rem(c + 1, 2))

        pltpu.make_async_copy(uemb_hbm.at[pl.ds(0, GCH)], urows_v.at[buf], sems.at[buf]).wait()
        pltpu.make_async_copy(pemb_hbm.at[pl.ds(0, GCH)], prows_v.at[buf], sems.at[buf]).wait()

        def dot_body(i, a):
            r = i * 4
            for t in range(4):
                a = a + urows_v[buf, r + t, pl.ds(0, 16)] * prows_v[buf, r + t, pl.ds(0, 16)]
                a = a + urows_v[buf, r + t, pl.ds(16, 16)] * prows_v[buf, r + t, pl.ds(16, 16)]
            return a
        return lax.fori_loop(0, GCH // 4, dot_body, acc)

    acc = lax.fori_loop(0, BPW // GCH, chunk_body, jnp.zeros((16,), jnp.float32))
    accv[...] = acc

    for cb in bias_cps:
        cb.wait()

    def bias_body(i, carry):
        s = pl.ds(i * 16, 16)
        bsumv[s] = ubv[s] + pbv[s]
        return carry
    lax.fori_loop(0, BPW // 16, bias_body, 0)

    pltpu.sync_copy(accv, partials_hbm.at[wid])
    pltpu.sync_copy(bsumv, bsum_hbm.at[pl.ds(base, BPW)])


def _sc_stage(u_idx, p_idx, uemb, ub_flat, pemb, pb_flat):
    mesh = plsc.VectorSubcoreMesh(core_axis_name="c", subcore_axis_name="s")
    f = pl.kernel(
        _sc_body,
        mesh=mesh,
        compiler_params=pltpu.CompilerParams(use_tc_tiling_on_sc=False),
        out_type=[
            jax.ShapeDtypeStruct((NW, 16), jnp.float32),
            jax.ShapeDtypeStruct((BATCH,), jnp.float32),
        ],
        scratch_types=[
            pltpu.VMEM((BPW,), jnp.int32),
            pltpu.VMEM((BPW,), jnp.int32),
            pltpu.VMEM((2, GCH, EMBED_DIM), jnp.float32),
            pltpu.VMEM((2, GCH, EMBED_DIM), jnp.float32),
            pltpu.VMEM((BPW,), jnp.float32),
            pltpu.VMEM((BPW,), jnp.float32),
            pltpu.VMEM((BPW,), jnp.float32),
            pltpu.VMEM((16,), jnp.float32),
            pltpu.SemaphoreType.DMA((3,)),
        ],
    )
    return f(u_idx, p_idx, uemb, ub_flat, pemb, pb_flat)


def _tc_final(partials_ref, bsum_ref, out_ref):
    s = jnp.sum(partials_ref[...])
    out_ref[...] = jax.nn.sigmoid(bsum_ref[...] + s)


def kernel(inputs, user_embedding, user_bias, place_embedding, place_bias):
    u_idx = inputs[:, 0]
    p_idx = inputs[:, 1]
    partials, bsum = _sc_stage(
        u_idx, p_idx, user_embedding, user_bias[:, 0],
        place_embedding, place_bias[:, 0])
    out = pl.pallas_call(
        _tc_final,
        out_shape=jax.ShapeDtypeStruct((128, 128), jnp.float32),
    )(partials, bsum.reshape(128, 128))
    return out.reshape(BATCH, 1)

# --- scband reference (transcript-rebuilt; emitter-appended) ---
"""Pipeline reference for scband-recommenders-56272661512225 (READ-ONLY COPY).

The authoritative reference and input builder live on the scoring server;
editing this copy changes nothing except your own understanding.
"""

import jax, jax.numpy as jnp
import numpy as np

NUM_USERS = 1000000
NUM_PLACE = 100000
EMBED_DIM = 32
BATCH = 16384

def setup_inputs(seed: int = 0) -> dict:
    key = jax.random.key(seed)
    k1, k2, k3, k4, k5, k6 = jax.random.split(key, 6)
    user_idx = jax.random.randint(k1, (BATCH, 1), 0, NUM_USERS, dtype=jnp.int64 if jax.config.jax_enable_x64 else jnp.int32)
    place_idx = jax.random.randint(k2, (BATCH, 1), 0, NUM_PLACE, dtype=jnp.int64 if jax.config.jax_enable_x64 else jnp.int32)
    inputs = jnp.concatenate([user_idx, place_idx], axis=1)
    # he_normal-ish init for embedding tables
    user_embedding = jax.random.normal(k3, (NUM_USERS, EMBED_DIM), dtype=jnp.float32) * np.sqrt(2.0 / EMBED_DIM)
    place_embedding = jax.random.normal(k4, (NUM_PLACE, EMBED_DIM), dtype=jnp.float32) * np.sqrt(2.0 / EMBED_DIM)
    user_bias = jax.random.normal(k5, (NUM_USERS, 1), dtype=jnp.float32) * 0.01
    place_bias = jax.random.normal(k6, (NUM_PLACE, 1), dtype=jnp.float32) * 0.01
    return {
        "inputs": inputs,
        "user_embedding": user_embedding,
        "user_bias": user_bias,
        "place_embedding": place_embedding,
        "place_bias": place_bias,
    }

def reference(inputs, user_embedding, user_bias, place_embedding, place_bias):
    # Faithful translation of Recommenders.call
    user_vector = jnp.take(user_embedding, inputs[:, 0], axis=0)   # [B, D]
    ub = jnp.take(user_bias, inputs[:, 0], axis=0)                 # [B, 1]
    place_vector = jnp.take(place_embedding, inputs[:, 1], axis=0) # [B, D]
    pb = jnp.take(place_bias, inputs[:, 1], axis=0)                # [B, 1]
    # tf.tensordot(user_vector, place_vector, 2) contracts over BOTH axes -> scalar
    dot_user_place = jnp.tensordot(user_vector, place_vector, axes=2)
    x = dot_user_place + ub + pb                                   # [B, 1] via broadcast
    return jax.nn.sigmoid(x)

if __name__ == "__main__":
    import jax
    _d = setup_inputs()
    print(jax.jit(kernel)(*tuple(_d.values())))

</pallas_src>

<mosaic_0001>
#map = affine_map<(d0, d1) -> (0)>
#map1 = affine_map<(d0, d1) -> (0, 0)>
module attributes {stable_mosaic.version = 14 : i64} {
  func.func @_sc_body(%arg0: i32, %arg1: i32, %arg2: memref<16384xi32, #tpu.memory_space<hbm>>, %arg3: memref<16384xi32, #tpu.memory_space<hbm>>, %arg4: memref<1000000x32xf32, #tpu.memory_space<hbm>>, %arg5: memref<1000000xf32, #tpu.memory_space<hbm>>, %arg6: memref<100000x32xf32, #tpu.memory_space<hbm>>, %arg7: memref<100000xf32, #tpu.memory_space<hbm>>, %arg8: memref<32x16xf32, #tpu.memory_space<hbm>>, %arg9: memref<16384xf32, #tpu.memory_space<hbm>>, %arg10: memref<512xi32, #tpu.memory_space<vmem>>, %arg11: memref<512xi32, #tpu.memory_space<vmem>>, %arg12: memref<2x128x32xf32, #tpu.memory_space<vmem>>, %arg13: memref<2x128x32xf32, #tpu.memory_space<vmem>>, %arg14: memref<512xf32, #tpu.memory_space<vmem>>, %arg15: memref<512xf32, #tpu.memory_space<vmem>>, %arg16: memref<512xf32, #tpu.memory_space<vmem>>, %arg17: memref<16xf32, #tpu.memory_space<vmem>>, %arg18: memref<3x!tpu.dma_semaphore, #tpu.memory_space<semaphore_mem>>) attributes {dimension_semantics = [#tpu.dimension_semantics<core_parallel>, #tpu.dimension_semantics<subcore_parallel>], iteration_bounds = array<i64: 2, 16>, scalar_prefetch = 0 : i64, scratch_operands = 9 : i64, tpu.core_type = #tpu.core_type<sc_vector_subcore>, window_params = [{transform_indices = #map}, {transform_indices = #map}, {transform_indices = #map1}, {transform_indices = #map}, {transform_indices = #map1}, {transform_indices = #map}, {transform_indices = #map1}, {transform_indices = #map}]} {
    %mul3A = arith.constant 16 : i32
    %mul3A_0 = arith.muli %arg0, %mul3A : i32
    %add3A = arith.addi %mul3A_0, %arg1 : i32
    %mul3A_1 = arith.constant 512 : i32
    %mul3A_2 = arith.muli %add3A, %mul3A_1 : i32
    "tpu.region"() ({
      %run_scoped3A = tpu.sem_alloc : memref<!tpu.dma_semaphore, #tpu.memory_space<semaphore_mem>>
      %dma_start3A_186 = tpu.memref_slice %arg2[%mul3A_2] : memref<16384xi32, #tpu.memory_space<hbm>> -> memref<512xi32, #tpu.memory_space<hbm>>
      %dma_start3A_187 = tpu.memref_slice %arg2[%mul3A_2] : memref<16384xi32, #tpu.memory_space<hbm>> -> memref<512xi32, #tpu.memory_space<hbm>>
      tpu.enqueue_dma source(%dma_start3A_187 : memref<512xi32, #tpu.memory_space<hbm>>) target(%arg10 : memref<512xi32, #tpu.memory_space<vmem>>) target_semaphore(%run_scoped3A : memref<!tpu.dma_semaphore, #tpu.memory_space<semaphore_mem>>)
      %dma_wait3A_188 = tpu.memref_slice %arg2[%mul3A_2] : memref<16384xi32, #tpu.memory_space<hbm>> -> memref<512xi32, #tpu.memory_space<hbm>>
      %dma_wait3A_189 = tpu.memref_slice %arg2[%mul3A_2] : memref<16384xi32, #tpu.memory_space<hbm>> -> memref<512xi32, #tpu.memory_space<hbm>>
      tpu.wait_dma2 semaphore(%run_scoped3A : memref<!tpu.dma_semaphore, #tpu.memory_space<semaphore_mem>>) src(%dma_wait3A_189 : memref<512xi32, #tpu.memory_space<hbm>>) dst(%arg10 : memref<512xi32, #tpu.memory_space<vmem>>)
      tpu.yield
    }) : () -> ()
    "tpu.region"() ({
      %run_scoped3A = tpu.sem_alloc : memref<!tpu.dma_semaphore, #tpu.memory_space<semaphore_mem>>
      %dma_start3A_186 = tpu.memref_slice %arg3[%mul3A_2] : memref<16384xi32, #tpu.memory_space<hbm>> -> memref<512xi32, #tpu.memory_space<hbm>>
      %dma_start3A_187 = tpu.memref_slice %arg3[%mul3A_2] : memref<16384xi32, #tpu.memory_space<hbm>> -> memref<512xi32, #tpu.memory_space<hbm>>
      tpu.enqueue_dma source(%dma_start3A_187 : memref<512xi32, #tpu.memory_space<hbm>>) target(%arg11 : memref<512xi32, #tpu.memory_space<vmem>>) target_semaphore(%run_scoped3A : memref<!tpu.dma_semaphore, #tpu.memory_space<semaphore_mem>>)
      %dma_wait3A_188 = tpu.memref_slice %arg3[%mul3A_2] : memref<16384xi32, #tpu.memory_space<hbm>> -> memref<512xi32, #tpu.memory_space<hbm>>
      %dma_wait3A_189 = tpu.memref_slice %arg3[%mul3A_2] : memref<16384xi32, #tpu.memory_space<hbm>> -> memref<512xi32, #tpu.memory_space<hbm>>
      tpu.wait_dma2 semaphore(%run_scoped3A : memref<!tpu.dma_semaphore, #tpu.memory_space<semaphore_mem>>) src(%dma_wait3A_189 : memref<512xi32, #tpu.memory_space<hbm>>) dst(%arg11 : memref<512xi32, #tpu.memory_space<vmem>>)
      tpu.yield
    }) : () -> ()
    %dma_start3A = arith.constant 2 : i32
    %dma_start3A_3 = arith.constant 0 : i32
    %dma_start3A_4 = tpu.memref_slice %arg14[%dma_start3A_3] : memref<512xf32, #tpu.memory_space<vmem>> -> memref<128xf32, #tpu.memory_space<vmem>>
    %dma_start3A_5 = arith.constant 0 : i32
    %dma_start3A_6 = tpu.memref_slice %arg10[%dma_start3A_5] : memref<512xi32, #tpu.memory_space<vmem>> -> memref<128xi32, #tpu.memory_space<vmem>>
    %dma_start3A_7 = arith.constant 0 : i32
    %dma_start3A_8 = tpu.memref_slice %arg5[%dma_start3A_7] : memref<1000000xf32, #tpu.memory_space<hbm>> -> memref<1000000xf32, #tpu.memory_space<hbm>>
    %dma_start3A_9 = tpu.memref_slice %arg18[%dma_start3A] : memref<3x!tpu.dma_semaphore, #tpu.memory_space<semaphore_mem>> -> memref<1x!tpu.dma_semaphore, #tpu.memory_space<semaphore_mem>>
    %dma_start3A_10 = tpu.memref_squeeze %dma_start3A_9 : memref<1x!tpu.dma_semaphore, #tpu.memory_space<semaphore_mem>> -> memref<!tpu.dma_semaphore, #tpu.memory_space<semaphore_mem>>
    tpu.enqueue_indirect_dma source(%dma_start3A_8 : memref<1000000xf32, #tpu.memory_space<hbm>>) target(%dma_start3A_4 : memref<128xf32, #tpu.memory_space<vmem>>) offsets(%dma_start3A_6 : memref<128xi32, #tpu.memory_space<vmem>>) semaphore(%dma_start3A_10 : memref<!tpu.dma_semaphore, #tpu.memory_space<semaphore_mem>>)
    %dma_start3A_11 = arith.constant 2 : i32
    %dma_start3A_12 = arith.constant 0 : i32
    %dma_start3A_13 = tpu.memref_slice %arg15[%dma_start3A_12] : memref<512xf32, #tpu.memory_space<vmem>> -> memref<128xf32, #tpu.memory_space<vmem>>
    %dma_start3A_14 = arith.constant 0 : i32
    %dma_start3A_15 = tpu.memref_slice %arg11[%dma_start3A_14] : memref<512xi32, #tpu.memory_space<vmem>> -> memref<128xi32, #tpu.memory_space<vmem>>
    %dma_start3A_16 = arith.constant 0 : i32
    %dma_start3A_17 = tpu.memref_slice %arg7[%dma_start3A_16] : memref<100000xf32, #tpu.memory_space<hbm>> -> memref<100000xf32, #tpu.memory_space<hbm>>
    %dma_start3A_18 = tpu.memref_slice %arg18[%dma_start3A_11] : memref<3x!tpu.dma_semaphore, #tpu.memory_space<semaphore_mem>> -> memref<1x!tpu.dma_semaphore, #tpu.memory_space<semaphore_mem>>
    %dma_start3A_19 = tpu.memref_squeeze %dma_start3A_18 : memref<1x!tpu.dma_semaphore, #tpu.memory_space<semaphore_mem>> -> memref<!tpu.dma_semaphore, #tpu.memory_space<semaphore_mem>>
    tpu.enqueue_indirect_dma source(%dma_start3A_17 : memref<100000xf32, #tpu.memory_space<hbm>>) target(%dma_start3A_13 : memref<128xf32, #tpu.memory_space<vmem>>) offsets(%dma_start3A_15 : memref<128xi32, #tpu.memory_space<vmem>>) semaphore(%dma_start3A_19 : memref<!tpu.dma_semaphore, #tpu.memory_space<semaphore_mem>>)
    %dma_start3A_20 = arith.constant 2 : i32
    %dma_start3A_21 = arith.constant 128 : i32
    %dma_start3A_22 = tpu.memref_slice %arg14[%dma_start3A_21] : memref<512xf32, #tpu.memory_space<vmem>> -> memref<128xf32, #tpu.memory_space<vmem>>
    %dma_start3A_23 = arith.constant 128 : i32
    %dma_start3A_24 = tpu.memref_slice %arg10[%dma_start3A_23] : memref<512xi32, #tpu.memory_space<vmem>> -> memref<128xi32, #tpu.memory_space<vmem>>
    %dma_start3A_25 = arith.constant 0 : i32
    %dma_start3A_26 = tpu.memref_slice %arg5[%dma_start3A_25] : memref<1000000xf32, #tpu.memory_space<hbm>> -> memref<1000000xf32, #tpu.memory_space<hbm>>
    %dma_start3A_27 = tpu.memref_slice %arg18[%dma_start3A_20] : memref<3x!tpu.dma_semaphore, #tpu.memory_space<semaphore_mem>> -> memref<1x!tpu.dma_semaphore, #tpu.memory_space<semaphore_mem>>
    %dma_start3A_28 = tpu.memref_squeeze %dma_start3A_27 : memref<1x!tpu.dma_semaphore, #tpu.memory_space<semaphore_mem>> -> memref<!tpu.dma_semaphore, #tpu.memory_space<semaphore_mem>>
    tpu.enqueue_indirect_dma source(%dma_start3A_26 : memref<1000000xf32, #tpu.memory_space<hbm>>) target(%dma_start3A_22 : memref<128xf32, #tpu.memory_space<vmem>>) offsets(%dma_start3A_24 : memref<128xi32, #tpu.memory_space<vmem>>) semaphore(%dma_start3A_28 : memref<!tpu.dma_semaphore, #tpu.memory_space<semaphore_mem>>)
    %dma_start3A_29 = arith.constant 2 : i32
    %dma_start3A_30 = arith.constant 128 : i32
    %dma_start3A_31 = tpu.memref_slice %arg15[%dma_start3A_30] : memref<512xf32, #tpu.memory_space<vmem>> -> memref<128xf32, #tpu.memory_space<vmem>>
    %dma_start3A_32 = arith.constant 128 : i32
    %dma_start3A_33 = tpu.memref_slice %arg11[%dma_start3A_32] : memref<512xi32, #tpu.memory_space<vmem>> -> memref<128xi32, #tpu.memory_space<vmem>>
    %dma_start3A_34 = arith.constant 0 : i32
    %dma_start3A_35 = tpu.memref_slice %arg7[%dma_start3A_34] : memref<100000xf32, #tpu.memory_space<hbm>> -> memref<100000xf32, #tpu.memory_space<hbm>>
    %dma_start3A_36 = tpu.memref_slice %arg18[%dma_start3A_29] : memref<3x!tpu.dma_semaphore, #tpu.memory_space<semaphore_mem>> -> memref<1x!tpu.dma_semaphore, #tpu.memory_space<semaphore_mem>>
    %dma_start3A_37 = tpu.memref_squeeze %dma_start3A_36 : memref<1x!tpu.dma_semaphore, #tpu.memory_space<semaphore_mem>> -> memref<!tpu.dma_semaphore, #tpu.memory_space<semaphore_mem>>
    tpu.enqueue_indirect_dma source(%dma_start3A_35 : memref<100000xf32, #tpu.memory_space<hbm>>) target(%dma_start3A_31 : memref<128xf32, #tpu.memory_space<vmem>>) offsets(%dma_start3A_33 : memref<128xi32, #tpu.memory_space<vmem>>) semaphore(%dma_start3A_37 : memref<!tpu.dma_semaphore, #tpu.memory_space<semaphore_mem>>)
    %dma_start3A_38 = arith.constant 2 : i32
    %dma_start3A_39 = arith.constant 256 : i32
    %dma_start3A_40 = tpu.memref_slice %arg14[%dma_start3A_39] : memref<512xf32, #tpu.memory_space<vmem>> -> memref<128xf32, #tpu.memory_space<vmem>>
    %dma_start3A_41 = arith.constant 256 : i32
    %dma_start3A_42 = tpu.memref_slice %arg10[%dma_start3A_41] : memref<512xi32, #tpu.memory_space<vmem>> -> memref<128xi32, #tpu.memory_space<vmem>>
    %dma_start3A_43 = arith.constant 0 : i32
    %dma_start3A_44 = tpu.memref_slice %arg5[%dma_start3A_43] : memref<1000000xf32, #tpu.memory_space<hbm>> -> memref<1000000xf32, #tpu.memory_space<hbm>>
    %dma_start3A_45 = tpu.memref_slice %arg18[%dma_start3A_38] : memref<3x!tpu.dma_semaphore, #tpu.memory_space<semaphore_mem>> -> memref<1x!tpu.dma_semaphore, #tpu.memory_space<semaphore_mem>>
    %dma_start3A_46 = tpu.memref_squeeze %dma_start3A_45 : memref<1x!tpu.dma_semaphore, #tpu.memory_space<semaphore_mem>> -> memref<!tpu.dma_semaphore, #tpu.memory_space<semaphore_mem>>
    tpu.enqueue_indirect_dma source(%dma_start3A_44 : memref<1000000xf32, #tpu.memory_space<hbm>>) target(%dma_start3A_40 : memref<128xf32, #tpu.memory_space<vmem>>) offsets(%dma_start3A_42 : memref<128xi32, #tpu.memory_space<vmem>>) semaphore(%dma_start3A_46 : memref<!tpu.dma_semaphore, #tpu.memory_space<semaphore_mem>>)
    %dma_start3A_47 = arith.constant 2 : i32
    %dma_start3A_48 = arith.constant 256 : i32
    %dma_start3A_49 = tpu.memref_slice %arg15[%dma_start3A_48] : memref<512xf32, #tpu.memory_space<vmem>> -> memref<128xf32, #tpu.memory_space<vmem>>
    %dma_start3A_50 = arith.constant 256 : i32
    %dma_start3A_51 = tpu.memref_slice %arg11[%dma_start3A_50] : memref<512xi32, #tpu.memory_space<vmem>> -> memref<128xi32, #tpu.memory_space<vmem>>
    %dma_start3A_52 = arith.constant 0 : i32
    %dma_start3A_53 = tpu.memref_slice %arg7[%dma_start3A_52] : memref<100000xf32, #tpu.memory_space<hbm>> -> memref<100000xf32, #tpu.memory_space<hbm>>
    %dma_start3A_54 = tpu.memref_slice %arg18[%dma_start3A_47] : memref<3x!tpu.dma_semaphore, #tpu.memory_space<semaphore_mem>> -> memref<1x!tpu.dma_semaphore, #tpu.memory_space<semaphore_mem>>
    %dma_start3A_55 = tpu.memref_squeeze %dma_start3A_54 : memref<1x!tpu.dma_semaphore, #tpu.memory_space<semaphore_mem>> -> memref<!tpu.dma_semaphore, #tpu.memory_space<semaphore_mem>>
    tpu.enqueue_indirect_dma source(%dma_start3A_53 : memref<100000xf32, #tpu.memory_space<hbm>>) target(%dma_start3A_49 : memref<128xf32, #tpu.memory_space<vmem>>) offsets(%dma_start3A_51 : memref<128xi32, #tpu.memory_space<vmem>>) semaphore(%dma_start3A_55 : memref<!tpu.dma_semaphore, #tpu.memory_space<semaphore_mem>>)
    %dma_start3A_56 = arith.constant 2 : i32
    %dma_start3A_57 = arith.constant 384 : i32
    %dma_start3A_58 = tpu.memref_slice %arg14[%dma_start3A_57] : memref<512xf32, #tpu.memory_space<vmem>> -> memref<128xf32, #tpu.memory_space<vmem>>
    %dma_start3A_59 = arith.constant 384 : i32
    %dma_start3A_60 = tpu.memref_slice %arg10[%dma_start3A_59] : memref<512xi32, #tpu.memory_space<vmem>> -> memref<128xi32, #tpu.memory_space<vmem>>
    %dma_start3A_61 = arith.constant 0 : i32
    %dma_start3A_62 = tpu.memref_slice %arg5[%dma_start3A_61] : memref<1000000xf32, #tpu.memory_space<hbm>> -> memref<1000000xf32, #tpu.memory_space<hbm>>
    %dma_start3A_63 = tpu.memref_slice %arg18[%dma_start3A_56] : memref<3x!tpu.dma_semaphore, #tpu.memory_space<semaphore_mem>> -> memref<1x!tpu.dma_semaphore, #tpu.memory_space<semaphore_mem>>
    %dma_start3A_64 = tpu.memref_squeeze %dma_start3A_63 : memref<1x!tpu.dma_semaphore, #tpu.memory_space<semaphore_mem>> -> memref<!tpu.dma_semaphore, #tpu.memory_space<semaphore_mem>>
    tpu.enqueue_indirect_dma source(%dma_start3A_62 : memref<1000000xf32, #tpu.memory_space<hbm>>) target(%dma_start3A_58 : memref<128xf32, #tpu.memory_space<vmem>>) offsets(%dma_start3A_60 : memref<128xi32, #tpu.memory_space<vmem>>) semaphore(%dma_start3A_64 : memref<!tpu.dma_semaphore, #tpu.memory_space<semaphore_mem>>)
    %dma_start3A_65 = arith.constant 2 : i32
    %dma_start3A_66 = arith.constant 384 : i32
    %dma_start3A_67 = tpu.memref_slice %arg15[%dma_start3A_66] : memref<512xf32, #tpu.memory_space<vmem>> -> memref<128xf32, #tpu.memory_space<vmem>>
    %dma_start3A_68 = arith.constant 384 : i32
    %dma_start3A_69 = tpu.memref_slice %arg11[%dma_start3A_68] : memref<512xi32, #tpu.memory_space<vmem>> -> memref<128xi32, #tpu.memory_space<vmem>>
    %dma_start3A_70 = arith.constant 0 : i32
    %dma_start3A_71 = tpu.memref_slice %arg7[%dma_start3A_70] : memref<100000xf32, #tpu.memory_space<hbm>> -> memref<100000xf32, #tpu.memory_space<hbm>>
    %dma_start3A_72 = tpu.memref_slice %arg18[%dma_start3A_65] : memref<3x!tpu.dma_semaphore, #tpu.memory_space<semaphore_mem>> -> memref<1x!tpu.dma_semaphore, #tpu.memory_space<semaphore_mem>>
    %dma_start3A_73 = tpu.memref_squeeze %dma_start3A_72 : memref<1x!tpu.dma_semaphore, #tpu.memory_space<semaphore_mem>> -> memref<!tpu.dma_semaphore, #tpu.memory_space<semaphore_mem>>
    tpu.enqueue_indirect_dma source(%dma_start3A_71 : memref<100000xf32, #tpu.memory_space<hbm>>) target(%dma_start3A_67 : memref<128xf32, #tpu.memory_space<vmem>>) offsets(%dma_start3A_69 : memref<128xi32, #tpu.memory_space<vmem>>) semaphore(%dma_start3A_73 : memref<!tpu.dma_semaphore, #tpu.memory_space<semaphore_mem>>)
    %dma_start3A_74 = arith.constant 0 : i32
    %dma_start3A_75 = arith.constant 0 : i32
    %dma_start3A_76 = arith.constant 0 : i32
    %dma_start3A_77 = arith.constant 0 : i32
    %dma_start3A_78 = tpu.memref_slice %arg12[%dma_start3A_74, %dma_start3A_76, %dma_start3A_77] : memref<2x128x32xf32, #tpu.memory_space<vmem>> -> memref<1x128x32xf32, #tpu.memory_space<vmem>>
    %dma_start3A_79 = tpu.memref_squeeze %dma_start3A_78 : memref<1x128x32xf32, #tpu.memory_space<vmem>> -> memref<128x32xf32, #tpu.memory_space<vmem>>
    %dma_start3A_80 = arith.constant 0 : i32
    %dma_start3A_81 = tpu.memref_slice %arg10[%dma_start3A_80] : memref<512xi32, #tpu.memory_space<vmem>> -> memref<128xi32, #tpu.memory_space<vmem>>
    %dma_start3A_82 = arith.constant 0 : i32
    %dma_start3A_83 = arith.constant 0 : i32
    %dma_start3A_84 = tpu.memref_slice %arg4[%dma_start3A_82, %dma_start3A_83] : memref<1000000x32xf32, #tpu.memory_space<hbm>> -> memref<1000000x32xf32, #tpu.memory_space<hbm>>
    %dma_start3A_85 = tpu.memref_slice %arg18[%dma_start3A_75] : memref<3x!tpu.dma_semaphore, #tpu.memory_space<semaphore_mem>> -> memref<1x!tpu.dma_semaphore, #tpu.memory_space<semaphore_mem>>
    %dma_start3A_86 = tpu.memref_squeeze %dma_start3A_85 : memref<1x!tpu.dma_semaphore, #tpu.memory_space<semaphore_mem>> -> memref<!tpu.dma_semaphore, #tpu.memory_space<semaphore_mem>>
    tpu.enqueue_indirect_dma source(%dma_start3A_84 : memref<1000000x32xf32, #tpu.memory_space<hbm>>) target(%dma_start3A_79 : memref<128x32xf32, #tpu.memory_space<vmem>>) offsets(%dma_start3A_81 : memref<128xi32, #tpu.memory_space<vmem>>) semaphore(%dma_start3A_86 : memref<!tpu.dma_semaphore, #tpu.memory_space<semaphore_mem>>)
    %dma_start3A_87 = arith.constant 0 : i32
    %dma_start3A_88 = arith.constant 0 : i32
    %dma_start3A_89 = arith.constant 0 : i32
    %dma_start3A_90 = arith.constant 0 : i32
    %dma_start3A_91 = tpu.memref_slice %arg13[%dma_start3A_87, %dma_start3A_89, %dma_start3A_90] : memref<2x128x32xf32, #tpu.memory_space<vmem>> -> memref<1x128x32xf32, #tpu.memory_space<vmem>>
    %dma_start3A_92 = tpu.memref_squeeze %dma_start3A_91 : memref<1x128x32xf32, #tpu.memory_space<vmem>> -> memref<128x32xf32, #tpu.memory_space<vmem>>
    %dma_start3A_93 = arith.constant 0 : i32
    %dma_start3A_94 = tpu.memref_slice %arg11[%dma_start3A_93] : memref<512xi32, #tpu.memory_space<vmem>> -> memref<128xi32, #tpu.memory_space<vmem>>
    %dma_start3A_95 = arith.constant 0 : i32
    %dma_start3A_96 = arith.constant 0 : i32
    %dma_start3A_97 = tpu.memref_slice %arg6[%dma_start3A_95, %dma_start3A_96] : memref<100000x32xf32, #tpu.memory_space<hbm>> -> memref<100000x32xf32, #tpu.memory_space<hbm>>
    %dma_start3A_98 = tpu.memref_slice %arg18[%dma_start3A_88] : memref<3x!tpu.dma_semaphore, #tpu.memory_space<semaphore_mem>> -> memref<1x!tpu.dma_semaphore, #tpu.memory_space<semaphore_mem>>
    %dma_start3A_99 = tpu.memref_squeeze %dma_start3A_98 : memref<1x!tpu.dma_semaphore, #tpu.memory_space<semaphore_mem>> -> memref<!tpu.dma_semaphore, #tpu.memory_space<semaphore_mem>>
    tpu.enqueue_indirect_dma source(%dma_start3A_97 : memref<100000x32xf32, #tpu.memory_space<hbm>>) target(%dma_start3A_92 : memref<128x32xf32, #tpu.memory_space<vmem>>) offsets(%dma_start3A_94 : memref<128xi32, #tpu.memory_space<vmem>>) semaphore(%dma_start3A_99 : memref<!tpu.dma_semaphore, #tpu.memory_space<semaphore_mem>>)
    %broadcast_in_dim3A = arith.constant 0.000000e+00 : f32
    %broadcast_in_dim3A_100 = vector.broadcast %broadcast_in_dim3A : f32 to vector<16xf32>
    %scan3A = arith.constant 0 : i32
    %scan3A_101 = arith.constant 4 : i32
    %scan3A_102 = arith.addi %scan3A, %scan3A_101 : i32
    %scan3A_103 = arith.constant 1 : i32
    %scan3A_104 = scf.for %scan3A_186 = %scan3A to %scan3A_102 step %scan3A_103 iter_args(%scan3A_187 = %broadcast_in_dim3A_100) -> (vector<16xf32>)  : i32 {
      %rem3A = arith.constant 2 : i32
      %rem3A_188 = arith.remsi %scan3A_186, %rem3A : i32
      %add3A_189 = arith.constant 1 : i32
      %add3A_190 = arith.addi %scan3A_186, %add3A_189 : i32
      %lt3A = arith.constant 4 : i32
      %lt3A_191 = arith.cmpi slt, %add3A_190, %lt3A : i32
      %convert_element_type3A = arith.extui %lt3A_191 : i1 to i32
      %cond3A = arith.constant 0 : i32
      %cond3A_192 = arith.cmpi ne, %convert_element_type3A, %cond3A : i32
      scf.if %cond3A_192 {
        %add3A_231 = arith.constant 1 : i32
        %add3A_232 = arith.addi %scan3A_186, %add3A_231 : i32
        %add3A_233 = arith.constant 1 : i32
        %add3A_234 = arith.addi %scan3A_186, %add3A_233 : i32
        %rem3A_235 = arith.constant 2 : i32
        %rem3A_236 = arith.remsi %add3A_234, %rem3A_235 : i32
        %mul3A_237 = arith.constant 128 : i32
        %mul3A_238 = arith.muli %add3A_232, %mul3A_237 : i32
        %dma_start3A_239 = arith.constant 0 : i32
        %dma_start3A_240 = arith.constant 0 : i32
        %dma_start3A_241 = tpu.memref_slice %arg12[%rem3A_236, %dma_start3A_239, %dma_start3A_240] : memref<2x128x32xf32, #tpu.memory_space<vmem>> -> memref<1x128x32xf32, #tpu.memory_space<vmem>>
        %dma_start3A_242 = tpu.memref_squeeze %dma_start3A_241 : memref<1x128x32xf32, #tpu.memory_space<vmem>> -> memref<128x32xf32, #tpu.memory_space<vmem>>
        %dma_start3A_243 = tpu.memref_slice %arg10[%mul3A_238] : memref<512xi32, #tpu.memory_space<vmem>> -> memref<128xi32, #tpu.memory_space<vmem>>
        %dma_start3A_244 = arith.constant 0 : i32
        %dma_start3A_245 = arith.constant 0 : i32
        %dma_start3A_246 = tpu.memref_slice %arg4[%dma_start3A_244, %dma_start3A_245] : memref<1000000x32xf32, #tpu.memory_space<hbm>> -> memref<1000000x32xf32, #tpu.memory_space<hbm>>
        %dma_start3A_247 = tpu.memref_slice %arg18[%rem3A_236] : memref<3x!tpu.dma_semaphore, #tpu.memory_space<semaphore_mem>> -> memref<1x!tpu.dma_semaphore, #tpu.memory_space<semaphore_mem>>
        %dma_start3A_248 = tpu.memref_squeeze %dma_start3A_247 : memref<1x!tpu.dma_semaphore, #tpu.memory_space<semaphore_mem>> -> memref<!tpu.dma_semaphore, #tpu.memory_space<semaphore_mem>>
        tpu.enqueue_indirect_dma source(%dma_start3A_246 : memref<1000000x32xf32, #tpu.memory_space<hbm>>) target(%dma_start3A_242 : memref<128x32xf32, #tpu.memory_space<vmem>>) offsets(%dma_start3A_243 : memref<128xi32, #tpu.memory_space<vmem>>) semaphore(%dma_start3A_248 : memref<!tpu.dma_semaphore, #tpu.memory_space<semaphore_mem>>)
        %dma_start3A_249 = arith.constant 0 : i32
        %dma_start3A_250 = arith.constant 0 : i32
        %dma_start3A_251 = tpu.memref_slice %arg13[%rem3A_236, %dma_start3A_249, %dma_start3A_250] : memref<2x128x32xf32, #tpu.memory_space<vmem>> -> memref<1x128x32xf32, #tpu.memory_space<vmem>>
        %dma_start3A_252 = tpu.memref_squeeze %dma_start3A_251 : memref<1x128x32xf32, #tpu.memory_space<vmem>> -> memref<128x32xf32, #tpu.memory_space<vmem>>
        %dma_start3A_253 = tpu.memref_slice %arg11[%mul3A_238] : memref<512xi32, #tpu.memory_space<vmem>> -> memref<128xi32, #tpu.memory_space<vmem>>
        %dma_start3A_254 = arith.constant 0 : i32
        %dma_start3A_255 = arith.constant 0 : i32
        %dma_start3A_256 = tpu.memref_slice %arg6[%dma_start3A_254, %dma_start3A_255] : memref<100000x32xf32, #tpu.memory_space<hbm>> -> memref<100000x32xf32, #tpu.memory_space<hbm>>
        %dma_start3A_257 = tpu.memref_slice %arg18[%rem3A_236] : memref<3x!tpu.dma_semaphore, #tpu.memory_space<semaphore_mem>> -> memref<1x!tpu.dma_semaphore, #tpu.memory_space<semaphore_mem>>
        %dma_start3A_258 = tpu.memref_squeeze %dma_start3A_257 : memref<1x!tpu.dma_semaphore, #tpu.memory_space<semaphore_mem>> -> memref<!tpu.dma_semaphore, #tpu.memory_space<semaphore_mem>>
        tpu.enqueue_indirect_dma source(%dma_start3A_256 : memref<100000x32xf32, #tpu.memory_space<hbm>>) target(%dma_start3A_252 : memref<128x32xf32, #tpu.memory_space<vmem>>) offsets(%dma_start3A_253 : memref<128xi32, #tpu.memory_space<vmem>>) semaphore(%dma_start3A_258 : memref<!tpu.dma_semaphore, #tpu.memory_space<semaphore_mem>>)
      } else {
      }
      %dma_wait3A_193 = arith.constant 0 : i32
      %dma_wait3A_194 = arith.constant 0 : i32
      %dma_wait3A_195 = tpu.memref_slice %arg12[%rem3A_188, %dma_wait3A_193, %dma_wait3A_194] : memref<2x128x32xf32, #tpu.memory_space<vmem>> -> memref<1x128x32xf32, #tpu.memory_space<vmem>>
      %dma_wait3A_196 = tpu.memref_squeeze %dma_wait3A_195 : memref<1x128x32xf32, #tpu.memory_space<vmem>> -> memref<128x32xf32, #tpu.memory_space<vmem>>
      %dma_wait3A_197 = arith.constant 0 : i32
      %dma_wait3A_198 = arith.constant 0 : i32
      %dma_wait3A_199 = tpu.memref_slice %arg4[%dma_wait3A_197, %dma_wait3A_198] : memref<1000000x32xf32, #tpu.memory_space<hbm>> -> memref<128x32xf32, #tpu.memory_space<hbm>>
      %dma_wait3A_200 = tpu.memref_slice %arg18[%rem3A_188] : memref<3x!tpu.dma_semaphore, #tpu.memory_space<semaphore_mem>> -> memref<1x!tpu.dma_semaphore, #tpu.memory_space<semaphore_mem>>
      %dma_wait3A_201 = tpu.memref_squeeze %dma_wait3A_200 : memref<1x!tpu.dma_semaphore, #tpu.memory_space<semaphore_mem>> -> memref<!tpu.dma_semaphore, #tpu.memory_space<semaphore_mem>>
      %dma_wait3A_202 = arith.constant 0 : i32
      %dma_wait3A_203 = arith.constant 0 : i32
      %dma_wait3A_204 = tpu.memref_slice %arg12[%rem3A_188, %dma_wait3A_202, %dma_wait3A_203] : memref<2x128x32xf32, #tpu.memory_space<vmem>> -> memref<1x128x32xf32, #tpu.memory_space<vmem>>
      %dma_wait3A_205 = tpu.memref_squeeze %dma_wait3A_204 : memref<1x128x32xf32, #tpu.memory_space<vmem>> -> memref<128x32xf32, #tpu.memory_space<vmem>>
      %dma_wait3A_206 = arith.constant 0 : i32
      %dma_wait3A_207 = arith.constant 0 : i32
      %dma_wait3A_208 = tpu.memref_slice %arg4[%dma_wait3A_206, %dma_wait3A_207] : memref<1000000x32xf32, #tpu.memory_space<hbm>> -> memref<128x32xf32, #tpu.memory_space<hbm>>
      tpu.wait_dma2 semaphore(%dma_wait3A_201 : memref<!tpu.dma_semaphore, #tpu.memory_space<semaphore_mem>>) src(%dma_wait3A_208 : memref<128x32xf32, #tpu.memory_space<hbm>>) dst(%dma_wait3A_205 : memref<128x32xf32, #tpu.memory_space<vmem>>)
      %dma_wait3A_209 = arith.constant 0 : i32
      %dma_wait3A_210 = arith.constant 0 : i32
      %dma_wait3A_211 = tpu.memref_slice %arg13[%rem3A_188, %dma_wait3A_209, %dma_wait3A_210] : memref<2x128x32xf32, #tpu.memory_space<vmem>> -> memref<1x128x32xf32, #tpu.memory_space<vmem>>
      %dma_wait3A_212 = tpu.memref_squeeze %dma_wait3A_211 : memref<1x128x32xf32, #tpu.memory_space<vmem>> -> memref<128x32xf32, #tpu.memory_space<vmem>>
      %dma_wait3A_213 = arith.constant 0 : i32
      %dma_wait3A_214 = arith.constant 0 : i32
      %dma_wait3A_215 = tpu.memref_slice %arg6[%dma_wait3A_213, %dma_wait3A_214] : memref<100000x32xf32, #tpu.memory_space<hbm>> -> memref<128x32xf32, #tpu.memory_space<hbm>>
      %dma_wait3A_216 = tpu.memref_slice %arg18[%rem3A_188] : memref<3x!tpu.dma_semaphore, #tpu.memory_space<semaphore_mem>> -> memref<1x!tpu.dma_semaphore, #tpu.memory_space<semaphore_mem>>
      %dma_wait3A_217 = tpu.memref_squeeze %dma_wait3A_216 : memref<1x!tpu.dma_semaphore, #tpu.memory_space<semaphore_mem>> -> memref<!tpu.dma_semaphore, #tpu.memory_space<semaphore_mem>>
      %dma_wait3A_218 = arith.constant 0 : i32
      %dma_wait3A_219 = arith.constant 0 : i32
      %dma_wait3A_220 = tpu.memref_slice %arg13[%rem3A_188, %dma_wait3A_218, %dma_wait3A_219] : memref<2x128x32xf32, #tpu.memory_space<vmem>> -> memref<1x128x32xf32, #tpu.memory_space<vmem>>
      %dma_wait3A_221 = tpu.memref_squeeze %dma_wait3A_220 : memref<1x128x32xf32, #tpu.memory_space<vmem>> -> memref<128x32xf32, #tpu.memory_space<vmem>>
      %dma_wait3A_222 = arith.constant 0 : i32
      %dma_wait3A_223 = arith.constant 0 : i32
      %dma_wait3A_224 = tpu.memref_slice %arg6[%dma_wait3A_222, %dma_wait3A_223] : memref<100000x32xf32, #tpu.memory_space<hbm>> -> memref<128x32xf32, #tpu.memory_space<hbm>>
      tpu.wait_dma2 semaphore(%dma_wait3A_217 : memref<!tpu.dma_semaphore, #tpu.memory_space<semaphore_mem>>) src(%dma_wait3A_224 : memref<128x32xf32, #tpu.memory_space<hbm>>) dst(%dma_wait3A_221 : memref<128x32xf32, #tpu.memory_space<vmem>>)
      %scan3A_225 = arith.constant 0 : i32
      %scan3A_226 = arith.constant 32 : i32
      %scan3A_227 = arith.addi %scan3A_225, %scan3A_226 : i32
      %scan3A_228 = arith.constant 1 : i32
      %scan3A_229 = scf.for %scan3A_231 = %scan3A_225 to %scan3A_227 step %scan3A_228 iter_args(%scan3A_232 = %scan3A_187) -> (vector<16xf32>)  : i32 {
        %mul3A_233 = arith.constant 4 : i32
        %mul3A_234 = arith.muli %scan3A_231, %mul3A_233 : i32
        %add3A_235 = arith.constant 0 : i32
        %add3A_236 = arith.addi %mul3A_234, %add3A_235 : i32
        %get3A = arith.index_cast %rem3A_188 : i32 to index
        %get3A_237 = arith.index_cast %add3A_236 : i32 to index
        %get3A_238 = arith.constant 0 : index
        %get3A_239 = tpu.vector_load %arg12[%get3A, %get3A_237, %get3A_238] {strides = array<i32>} : memref<2x128x32xf32, #tpu.memory_space<vmem>>, vector<1x1x16xf32>,
        %get3A_240 = vector.shape_cast %get3A_239 : vector<1x1x16xf32> to vector<16xf32>
        %add3A_241 = arith.constant 0 : i32
        %add3A_242 = arith.addi %mul3A_234, %add3A_241 : i32
        %get3A_243 = arith.index_cast %rem3A_188 : i32 to index
        %get3A_244 = arith.index_cast %add3A_242 : i32 to index
        %get3A_245 = arith.constant 0 : index
        %get3A_246 = tpu.vector_load %arg13[%get3A_243, %get3A_244, %get3A_245] {strides = array<i32>} : memref<2x128x32xf32, #tpu.memory_space<vmem>>, vector<1x1x16xf32>,
        %get3A_247 = vector.shape_cast %get3A_246 : vector<1x1x16xf32> to vector<16xf32>
        %mul3A_248 = arith.mulf %get3A_240, %get3A_247 : vector<16xf32>
        %add3A_249 = arith.addf %scan3A_232, %mul3A_248 : vector<16xf32>
        %add3A_250 = arith.constant 0 : i32
        %add3A_251 = arith.addi %mul3A_234, %add3A_250 : i32
        %get3A_252 = arith.index_cast %rem3A_188 : i32 to index
        %get3A_253 = arith.index_cast %add3A_251 : i32 to index
        %get3A_254 = arith.constant 16 : index
        %get3A_255 = tpu.vector_load %arg12[%get3A_252, %get3A_253, %get3A_254] {strides = array<i32>} : memref<2x128x32xf32, #tpu.memory_space<vmem>>, vector<1x1x16xf32>,
        %get3A_256 = vector.shape_cast %get3A_255 : vector<1x1x16xf32> to vector<16xf32>
        %add3A_257 = arith.constant 0 : i32
        %add3A_258 = arith.addi %mul3A_234, %add3A_257 : i32
        %get3A_259 = arith.index_cast %rem3A_188 : i32 to index
        %get3A_260 = arith.index_cast %add3A_258 : i32 to index
        %get3A_261 = arith.constant 16 : index
        %get3A_262 = tpu.vector_load %arg13[%get3A_259, %get3A_260, %get3A_261] {strides = array<i32>} : memref<2x128x32xf32, #tpu.memory_space<vmem>>, vector<1x1x16xf32>,
        %get3A_263 = vector.shape_cast %get3A_262 : vector<1x1x16xf32> to vector<16xf32>
        %mul3A_264 = arith.mulf %get3A_256, %get3A_263 : vector<16xf32>
        %add3A_265 = arith.addf %add3A_249, %mul3A_264 : vector<16xf32>
        %add3A_266 = arith.constant 1 : i32
        %add3A_267 = arith.addi %mul3A_234, %add3A_266 : i32
        %get3A_268 = arith.index_cast %rem3A_188 : i32 to index
        %get3A_269 = arith.index_cast %add3A_267 : i32 to index
        %get3A_270 = arith.constant 0 : index
        %get3A_271 = tpu.vector_load %arg12[%get3A_268, %get3A_269, %get3A_270] {strides = array<i32>} : memref<2x128x32xf32, #tpu.memory_space<vmem>>, vector<1x1x16xf32>,
        %get3A_272 = vector.shape_cast %get3A_271 : vector<1x1x16xf32> to vector<16xf32>
        %add3A_273 = arith.constant 1 : i32
        %add3A_274 = arith.addi %mul3A_234, %add3A_273 : i32
        %get3A_275 = arith.index_cast %rem3A_188 : i32 to index
        %get3A_276 = arith.index_cast %add3A_274 : i32 to index
        %get3A_277 = arith.constant 0 : index
        %get3A_278 = tpu.vector_load %arg13[%get3A_275, %get3A_276, %get3A_277] {strides = array<i32>} : memref<2x128x32xf32, #tpu.memory_space<vmem>>, vector<1x1x16xf32>,
        %get3A_279 = vector.shape_cast %get3A_278 : vector<1x1x16xf32> to vector<16xf32>
        %mul3A_280 = arith.mulf %get3A_272, %get3A_279 : vector<16xf32>
        %add3A_281 = arith.addf %add3A_265, %mul3A_280 : vector<16xf32>
        %add3A_282 = arith.constant 1 : i32
        %add3A_283 = arith.addi %mul3A_234, %add3A_282 : i32
        %get3A_284 = arith.index_cast %rem3A_188 : i32 to index
        %get3A_285 = arith.index_cast %add3A_283 : i32 to index
        %get3A_286 = arith.constant 16 : index
        %get3A_287 = tpu.vector_load %arg12[%get3A_284, %get3A_285, %get3A_286] {strides = array<i32>} : memref<2x128x32xf32, #tpu.memory_space<vmem>>, vector<1x1x16xf32>,
        %get3A_288 = vector.shape_cast %get3A_287 : vector<1x1x16xf32> to vector<16xf32>
        %add3A_289 = arith.constant 1 : i32
        %add3A_290 = arith.addi %mul3A_234, %add3A_289 : i32
        %get3A_291 = arith.index_cast %rem3A_188 : i32 to index
        %get3A_292 = arith.index_cast %add3A_290 : i32 to index
        %get3A_293 = arith.constant 16 : index
        %get3A_294 = tpu.vector_load %arg13[%get3A_291, %get3A_292, %get3A_293] {strides = array<i32>} : memref<2x128x32xf32, #tpu.memory_space<vmem>>, vector<1x1x16xf32>,
        %get3A_295 = vector.shape_cast %get3A_294 : vector<1x1x16xf32> to vector<16xf32>
        %mul3A_296 = arith.mulf %get3A_288, %get3A_295 : vector<16xf32>
        %add3A_297 = arith.addf %add3A_281, %mul3A_296 : vector<16xf32>
        %add3A_298 = arith.constant 2 : i32
        %add3A_299 = arith.addi %mul3A_234, %add3A_298 : i32
        %get3A_300 = arith.index_cast %rem3A_188 : i32 to index
        %get3A_301 = arith.index_cast %add3A_299 : i32 to index
        %get3A_302 = arith.constant 0 : index
        %get3A_303 = tpu.vector_load %arg12[%get3A_300, %get3A_301, %get3A_302] {strides = array<i32>} : memref<2x128x32xf32, #tpu.memory_space<vmem>>, vector<1x1x16xf32>,
        %get3A_304 = vector.shape_cast %get3A_303 : vector<1x1x16xf32> to vector<16xf32>
        %add3A_305 = arith.constant 2 : i32
        %add3A_306 = arith.addi %mul3A_234, %add3A_305 : i32
        %get3A_307 = arith.index_cast %rem3A_188 : i32 to index
        %get3A_308 = arith.index_cast %add3A_306 : i32 to index
        %get3A_309 = arith.constant 0 : index
        %get3A_310 = tpu.vector_load %arg13[%get3A_307, %get3A_308, %get3A_309] {strides = array<i32>} : memref<2x128x32xf32, #tpu.memory_space<vmem>>, vector<1x1x16xf32>,
        %get3A_311 = vector.shape_cast %get3A_310 : vector<1x1x16xf32> to vector<16xf32>
        %mul3A_312 = arith.mulf %get3A_304, %get3A_311 : vector<16xf32>
        %add3A_313 = arith.addf %add3A_297, %mul3A_312 : vector<16xf32>
        %add3A_314 = arith.constant 2 : i32
        %add3A_315 = arith.addi %mul3A_234, %add3A_314 : i32
        %get3A_316 = arith.index_cast %rem3A_188 : i32 to index
        %get3A_317 = arith.index_cast %add3A_315 : i32 to index
        %get3A_318 = arith.constant 16 : index
        %get3A_319 = tpu.vector_load %arg12[%get3A_316, %get3A_317, %get3A_318] {strides = array<i32>} : memref<2x128x32xf32, #tpu.memory_space<vmem>>, vector<1x1x16xf32>,
        %get3A_320 = vector.shape_cast %get3A_319 : vector<1x1x16xf32> to vector<16xf32>
        %add3A_321 = arith.constant 2 : i32
        %add3A_322 = arith.addi %mul3A_234, %add3A_321 : i32
        %get3A_323 = arith.index_cast %rem3A_188 : i32 to index
        %get3A_324 = arith.index_cast %add3A_322 : i32 to index
        %get3A_325 = arith.constant 16 : index
        %get3A_326 = tpu.vector_load %arg13[%get3A_323, %get3A_324, %get3A_325] {strides = array<i32>} : memref<2x128x32xf32, #tpu.memory_space<vmem>>, vector<1x1x16xf32>,
        %get3A_327 = vector.shape_cast %get3A_326 : vector<1x1x16xf32> to vector<16xf32>
        %mul3A_328 = arith.mulf %get3A_320, %get3A_327 : vector<16xf32>
        %add3A_329 = arith.addf %add3A_313, %mul3A_328 : vector<16xf32>
        %add3A_330 = arith.constant 3 : i32
        %add3A_331 = arith.addi %mul3A_234, %add3A_330 : i32
        %get3A_332 = arith.index_cast %rem3A_188 : i32 to index
        %get3A_333 = arith.index_cast %add3A_331 : i32 to index
        %get3A_334 = arith.constant 0 : index
        %get3A_335 = tpu.vector_load %arg12[%get3A_332, %get3A_333, %get3A_334] {strides = array<i32>} : memref<2x128x32xf32, #tpu.memory_space<vmem>>, vector<1x1x16xf32>,
        %get3A_336 = vector.shape_cast %get3A_335 : vector<1x1x16xf32> to vector<16xf32>
        %add3A_337 = arith.constant 3 : i32
        %add3A_338 = arith.addi %mul3A_234, %add3A_337 : i32
        %get3A_339 = arith.index_cast %rem3A_188 : i32 to index
        %get3A_340 = arith.index_cast %add3A_338 : i32 to index
        %get3A_341 = arith.constant 0 : index
        %get3A_342 = tpu.vector_load %arg13[%get3A_339, %get3A_340, %get3A_341] {strides = array<i32>} : memref<2x128x32xf32, #tpu.memory_space<vmem>>, vector<1x1x16xf32>,
        %get3A_343 = vector.shape_cast %get3A_342 : vector<1x1x16xf32> to vector<16xf32>
        %mul3A_344 = arith.mulf %get3A_336, %get3A_343 : vector<16xf32>
        %add3A_345 = arith.addf %add3A_329, %mul3A_344 : vector<16xf32>
        %add3A_346 = arith.constant 3 : i32
        %add3A_347 = arith.addi %mul3A_234, %add3A_346 : i32
        %get3A_348 = arith.index_cast %rem3A_188 : i32 to index
        %get3A_349 = arith.index_cast %add3A_347 : i32 to index
        %get3A_350 = arith.constant 16 : index
        %get3A_351 = tpu.vector_load %arg12[%get3A_348, %get3A_349, %get3A_350] {strides = array<i32>} : memref<2x128x32xf32, #tpu.memory_space<vmem>>, vector<1x1x16xf32>,
        %get3A_352 = vector.shape_cast %get3A_351 : vector<1x1x16xf32> to vector<16xf32>
        %add3A_353 = arith.constant 3 : i32
        %add3A_354 = arith.addi %mul3A_234, %add3A_353 : i32
        %get3A_355 = arith.index_cast %rem3A_188 : i32 to index
        %get3A_356 = arith.index_cast %add3A_354 : i32 to index
        %get3A_357 = arith.constant 16 : index
        %get3A_358 = tpu.vector_load %arg13[%get3A_355, %get3A_356, %get3A_357] {strides = array<i32>} : memref<2x128x32xf32, #tpu.memory_space<vmem>>, vector<1x1x16xf32>,
        %get3A_359 = vector.shape_cast %get3A_358 : vector<1x1x16xf32> to vector<16xf32>
        %mul3A_360 = arith.mulf %get3A_352, %get3A_359 : vector<16xf32>
        %add3A_361 = arith.addf %add3A_345, %mul3A_360 : vector<16xf32>
        scf.yield %add3A_361 : vector<16xf32>
      }
      %scan3A_230 = arith.constant 32 : i32
      scf.yield %scan3A_229 : vector<16xf32>
    }
    %scan3A_105 = arith.constant 4 : i32
    %swap3A = arith.constant 0 : index
    %swap3A_106 = tpu.vector_load %arg17[%swap3A] {strides = array<i32>} : memref<16xf32, #tpu.memory_space<vmem>>, vector<16xf32>,
    %swap3A_107 = vector.shape_cast %swap3A_106 : vector<16xf32> to vector<16xf32>
    %swap3A_108 = vector.shape_cast %scan3A_104 : vector<16xf32> to vector<16xf32>
    tpu.vector_store %arg17[%swap3A], %swap3A_108 {strides = array<i32>} : memref<16xf32, #tpu.memory_space<vmem>>, vector<16xf32>,
    %dma_wait3A = arith.constant 2 : i32
    %dma_wait3A_109 = arith.constant 0 : i32
    %dma_wait3A_110 = tpu.memref_slice %arg14[%dma_wait3A_109] : memref<512xf32, #tpu.memory_space<vmem>> -> memref<128xf32, #tpu.memory_space<vmem>>
    %dma_wait3A_111 = arith.constant 0 : i32
    %dma_wait3A_112 = tpu.memref_slice %arg10[%dma_wait3A_111] : memref<512xi32, #tpu.memory_space<vmem>> -> memref<128xi32, #tpu.memory_space<vmem>>
    %dma_wait3A_113 = arith.constant 0 : i32
    %dma_wait3A_114 = tpu.memref_slice %arg5[%dma_wait3A_113] : memref<1000000xf32, #tpu.memory_space<hbm>> -> memref<1000000xf32, #tpu.memory_space<hbm>>
    %dma_wait3A_115 = tpu.memref_slice %arg18[%dma_wait3A] : memref<3x!tpu.dma_semaphore, #tpu.memory_space<semaphore_mem>> -> memref<1x!tpu.dma_semaphore, #tpu.memory_space<semaphore_mem>>
    %dma_wait3A_116 = tpu.memref_squeeze %dma_wait3A_115 : memref<1x!tpu.dma_semaphore, #tpu.memory_space<semaphore_mem>> -> memref<!tpu.dma_semaphore, #tpu.memory_space<semaphore_mem>>
    tpu.wait_indirect_dma semaphore(%dma_wait3A_116 : memref<!tpu.dma_semaphore, #tpu.memory_space<semaphore_mem>>) src(%dma_wait3A_114 : memref<1000000xf32, #tpu.memory_space<hbm>>) dst(%dma_wait3A_110 : memref<128xf32, #tpu.memory_space<vmem>>)
    %dma_wait3A_117 = arith.constant 2 : i32
    %dma_wait3A_118 = arith.constant 0 : i32
    %dma_wait3A_119 = tpu.memref_slice %arg15[%dma_wait3A_118] : memref<512xf32, #tpu.memory_space<vmem>> -> memref<128xf32, #tpu.memory_space<vmem>>
    %dma_wait3A_120 = arith.constant 0 : i32
    %dma_wait3A_121 = tpu.memref_slice %arg11[%dma_wait3A_120] : memref<512xi32, #tpu.memory_space<vmem>> -> memref<128xi32, #tpu.memory_space<vmem>>
    %dma_wait3A_122 = arith.constant 0 : i32
    %dma_wait3A_123 = tpu.memref_slice %arg7[%dma_wait3A_122] : memref<100000xf32, #tpu.memory_space<hbm>> -> memref<100000xf32, #tpu.memory_space<hbm>>
    %dma_wait3A_124 = tpu.memref_slice %arg18[%dma_wait3A_117] : memref<3x!tpu.dma_semaphore, #tpu.memory_space<semaphore_mem>> -> memref<1x!tpu.dma_semaphore, #tpu.memory_space<semaphore_mem>>
    %dma_wait3A_125 = tpu.memref_squeeze %dma_wait3A_124 : memref<1x!tpu.dma_semaphore, #tpu.memory_space<semaphore_mem>> -> memref<!tpu.dma_semaphore, #tpu.memory_space<semaphore_mem>>
    tpu.wait_indirect_dma semaphore(%dma_wait3A_125 : memref<!tpu.dma_semaphore, #tpu.memory_space<semaphore_mem>>) src(%dma_wait3A_123 : memref<100000xf32, #tpu.memory_space<hbm>>) dst(%dma_wait3A_119 : memref<128xf32, #tpu.memory_space<vmem>>)
    %dma_wait3A_126 = arith.constant 2 : i32
    %dma_wait3A_127 = arith.constant 128 : i32
    %dma_wait3A_128 = tpu.memref_slice %arg14[%dma_wait3A_127] : memref<512xf32, #tpu.memory_space<vmem>> -> memref<128xf32, #tpu.memory_space<vmem>>
    %dma_wait3A_129 = arith.constant 128 : i32
    %dma_wait3A_130 = tpu.memref_slice %arg10[%dma_wait3A_129] : memref<512xi32, #tpu.memory_space<vmem>> -> memref<128xi32, #tpu.memory_space<vmem>>
    %dma_wait3A_131 = arith.constant 0 : i32
    %dma_wait3A_132 = tpu.memref_slice %arg5[%dma_wait3A_131] : memref<1000000xf32, #tpu.memory_space<hbm>> -> memref<1000000xf32, #tpu.memory_space<hbm>>
    %dma_wait3A_133 = tpu.memref_slice %arg18[%dma_wait3A_126] : memref<3x!tpu.dma_semaphore, #tpu.memory_space<semaphore_mem>> -> memref<1x!tpu.dma_semaphore, #tpu.memory_space<semaphore_mem>>
    %dma_wait3A_134 = tpu.memref_squeeze %dma_wait3A_133 : memref<1x!tpu.dma_semaphore, #tpu.memory_space<semaphore_mem>> -> memref<!tpu.dma_semaphore, #tpu.memory_space<semaphore_mem>>
    tpu.wait_indirect_dma semaphore(%dma_wait3A_134 : memref<!tpu.dma_semaphore, #tpu.memory_space<semaphore_mem>>) src(%dma_wait3A_132 : memref<1000000xf32, #tpu.memory_space<hbm>>) dst(%dma_wait3A_128 : memref<128xf32, #tpu.memory_space<vmem>>)
    %dma_wait3A_135 = arith.constant 2 : i32
    %dma_wait3A_136 = arith.constant 128 : i32
    %dma_wait3A_137 = tpu.memref_slice %arg15[%dma_wait3A_136] : memref<512xf32, #tpu.memory_space<vmem>> -> memref<128xf32, #tpu.memory_space<vmem>>
    %dma_wait3A_138 = arith.constant 128 : i32
    %dma_wait3A_139 = tpu.memref_slice %arg11[%dma_wait3A_138] : memref<512xi32, #tpu.memory_space<vmem>> -> memref<128xi32, #tpu.memory_space<vmem>>
    %dma_wait3A_140 = arith.constant 0 : i32
    %dma_wait3A_141 = tpu.memref_slice %arg7[%dma_wait3A_140] : memref<100000xf32, #tpu.memory_space<hbm>> -> memref<100000xf32, #tpu.memory_space<hbm>>
    %dma_wait3A_142 = tpu.memref_slice %arg18[%dma_wait3A_135] : memref<3x!tpu.dma_semaphore, #tpu.memory_space<semaphore_mem>> -> memref<1x!tpu.dma_semaphore, #tpu.memory_space<semaphore_mem>>
    %dma_wait3A_143 = tpu.memref_squeeze %dma_wait3A_142 : memref<1x!tpu.dma_semaphore, #tpu.memory_space<semaphore_mem>> -> memref<!tpu.dma_semaphore, #tpu.memory_space<semaphore_mem>>
    tpu.wait_indirect_dma semaphore(%dma_wait3A_143 : memref<!tpu.dma_semaphore, #tpu.memory_space<semaphore_mem>>) src(%dma_wait3A_141 : memref<100000xf32, #tpu.memory_space<hbm>>) dst(%dma_wait3A_137 : memref<128xf32, #tpu.memory_space<vmem>>)
    %dma_wait3A_144 = arith.constant 2 : i32
    %dma_wait3A_145 = arith.constant 256 : i32
    %dma_wait3A_146 = tpu.memref_slice %arg14[%dma_wait3A_145] : memref<512xf32, #tpu.memory_space<vmem>> -> memref<128xf32, #tpu.memory_space<vmem>>
    %dma_wait3A_147 = arith.constant 256 : i32
    %dma_wait3A_148 = tpu.memref_slice %arg10[%dma_wait3A_147] : memref<512xi32, #tpu.memory_space<vmem>> -> memref<128xi32, #tpu.memory_space<vmem>>
    %dma_wait3A_149 = arith.constant 0 : i32
    %dma_wait3A_150 = tpu.memref_slice %arg5[%dma_wait3A_149] : memref<1000000xf32, #tpu.memory_space<hbm>> -> memref<1000000xf32, #tpu.memory_space<hbm>>
    %dma_wait3A_151 = tpu.memref_slice %arg18[%dma_wait3A_144] : memref<3x!tpu.dma_semaphore, #tpu.memory_space<semaphore_mem>> -> memref<1x!tpu.dma_semaphore, #tpu.memory_space<semaphore_mem>>
    %dma_wait3A_152 = tpu.memref_squeeze %dma_wait3A_151 : memref<1x!tpu.dma_semaphore, #tpu.memory_space<semaphore_mem>> -> memref<!tpu.dma_semaphore, #tpu.memory_space<semaphore_mem>>
    tpu.wait_indirect_dma semaphore(%dma_wait3A_152 : memref<!tpu.dma_semaphore, #tpu.memory_space<semaphore_mem>>) src(%dma_wait3A_150 : memref<1000000xf32, #tpu.memory_space<hbm>>) dst(%dma_wait3A_146 : memref<128xf32, #tpu.memory_space<vmem>>)
    %dma_wait3A_153 = arith.constant 2 : i32
    %dma_wait3A_154 = arith.constant 256 : i32
    %dma_wait3A_155 = tpu.memref_slice %arg15[%dma_wait3A_154] : memref<512xf32, #tpu.memory_space<vmem>> -> memref<128xf32, #tpu.memory_space<vmem>>
    %dma_wait3A_156 = arith.constant 256 : i32
    %dma_wait3A_157 = tpu.memref_slice %arg11[%dma_wait3A_156] : memref<512xi32, #tpu.memory_space<vmem>> -> memref<128xi32, #tpu.memory_space<vmem>>
    %dma_wait3A_158 = arith.constant 0 : i32
    %dma_wait3A_159 = tpu.memref_slice %arg7[%dma_wait3A_158] : memref<100000xf32, #tpu.memory_space<hbm>> -> memref<100000xf32, #tpu.memory_space<hbm>>
    %dma_wait3A_160 = tpu.memref_slice %arg18[%dma_wait3A_153] : memref<3x!tpu.dma_semaphore, #tpu.memory_space<semaphore_mem>> -> memref<1x!tpu.dma_semaphore, #tpu.memory_space<semaphore_mem>>
    %dma_wait3A_161 = tpu.memref_squeeze %dma_wait3A_160 : memref<1x!tpu.dma_semaphore, #tpu.memory_space<semaphore_mem>> -> memref<!tpu.dma_semaphore, #tpu.memory_space<semaphore_mem>>
    tpu.wait_indirect_dma semaphore(%dma_wait3A_161 : memref<!tpu.dma_semaphore, #tpu.memory_space<semaphore_mem>>) src(%dma_wait3A_159 : memref<100000xf32, #tpu.memory_space<hbm>>) dst(%dma_wait3A_155 : memref<128xf32, #tpu.memory_space<vmem>>)
    %dma_wait3A_162 = arith.constant 2 : i32
    %dma_wait3A_163 = arith.constant 384 : i32
    %dma_wait3A_164 = tpu.memref_slice %arg14[%dma_wait3A_163] : memref<512xf32, #tpu.memory_space<vmem>> -> memref<128xf32, #tpu.memory_space<vmem>>
    %dma_wait3A_165 = arith.constant 384 : i32
    %dma_wait3A_166 = tpu.memref_slice %arg10[%dma_wait3A_165] : memref<512xi32, #tpu.memory_space<vmem>> -> memref<128xi32, #tpu.memory_space<vmem>>
    %dma_wait3A_167 = arith.constant 0 : i32
    %dma_wait3A_168 = tpu.memref_slice %arg5[%dma_wait3A_167] : memref<1000000xf32, #tpu.memory_space<hbm>> -> memref<1000000xf32, #tpu.memory_space<hbm>>
    %dma_wait3A_169 = tpu.memref_slice %arg18[%dma_wait3A_162] : memref<3x!tpu.dma_semaphore, #tpu.memory_space<semaphore_mem>> -> memref<1x!tpu.dma_semaphore, #tpu.memory_space<semaphore_mem>>
    %dma_wait3A_170 = tpu.memref_squeeze %dma_wait3A_169 : memref<1x!tpu.dma_semaphore, #tpu.memory_space<semaphore_mem>> -> memref<!tpu.dma_semaphore, #tpu.memory_space<semaphore_mem>>
    tpu.wait_indirect_dma semaphore(%dma_wait3A_170 : memref<!tpu.dma_semaphore, #tpu.memory_space<semaphore_mem>>) src(%dma_wait3A_168 : memref<1000000xf32, #tpu.memory_space<hbm>>) dst(%dma_wait3A_164 : memref<128xf32, #tpu.memory_space<vmem>>)
    %dma_wait3A_171 = arith.constant 2 : i32
    %dma_wait3A_172 = arith.constant 384 : i32
    %dma_wait3A_173 = tpu.memref_slice %arg15[%dma_wait3A_172] : memref<512xf32, #tpu.memory_space<vmem>> -> memref<128xf32, #tpu.memory_space<vmem>>
    %dma_wait3A_174 = arith.constant 384 : i32
    %dma_wait3A_175 = tpu.memref_slice %arg11[%dma_wait3A_174] : memref<512xi32, #tpu.memory_space<vmem>> -> memref<128xi32, #tpu.memory_space<vmem>>
    %dma_wait3A_176 = arith.constant 0 : i32
    %dma_wait3A_177 = tpu.memref_slice %arg7[%dma_wait3A_176] : memref<100000xf32, #tpu.memory_space<hbm>> -> memref<100000xf32, #tpu.memory_space<hbm>>
    %dma_wait3A_178 = tpu.memref_slice %arg18[%dma_wait3A_171] : memref<3x!tpu.dma_semaphore, #tpu.memory_space<semaphore_mem>> -> memref<1x!tpu.dma_semaphore, #tpu.memory_space<semaphore_mem>>
    %dma_wait3A_179 = tpu.memref_squeeze %dma_wait3A_178 : memref<1x!tpu.dma_semaphore, #tpu.memory_space<semaphore_mem>> -> memref<!tpu.dma_semaphore, #tpu.memory_space<semaphore_mem>>
    tpu.wait_indirect_dma semaphore(%dma_wait3A_179 : memref<!tpu.dma_semaphore, #tpu.memory_space<semaphore_mem>>) src(%dma_wait3A_177 : memref<100000xf32, #tpu.memory_space<hbm>>) dst(%dma_wait3A_173 : memref<128xf32, #tpu.memory_space<vmem>>)
    %scan3A_180 = arith.constant 0 : i32
    %scan3A_181 = arith.constant 0 : i32
    %scan3A_182 = arith.constant 32 : i32
    %scan3A_183 = arith.addi %scan3A_181, %scan3A_182 : i32
    %scan3A_184 = arith.constant 1 : i32
    scf.for %scan3A_186 = %scan3A_181 to %scan3A_183 step %scan3A_184  : i32 {
      %mul3A_187 = arith.constant 16 : i32
      %mul3A_188 = arith.muli %scan3A_186, %mul3A_187 : i32
      %get3A = arith.index_cast %mul3A_188 : i32 to index
      %get3A_189 = tpu.vector_load %arg14[%get3A] {strides = array<i32>} : memref<512xf32, #tpu.memory_space<vmem>>, vector<16xf32>,
      %get3A_190 = vector.shape_cast %get3A_189 : vector<16xf32> to vector<16xf32>
      %get3A_191 = arith.index_cast %mul3A_188 : i32 to index
      %get3A_192 = tpu.vector_load %arg15[%get3A_191] {strides = array<i32>} : memref<512xf32, #tpu.memory_space<vmem>>, vector<16xf32>,
      %get3A_193 = vector.shape_cast %get3A_192 : vector<16xf32> to vector<16xf32>
      %add3A_194 = arith.addf %get3A_190, %get3A_193 : vector<16xf32>
      %swap3A_195 = arith.index_cast %mul3A_188 : i32 to index
      %swap3A_196 = tpu.vector_load %arg16[%swap3A_195] {strides = array<i32>} : memref<512xf32, #tpu.memory_space<vmem>>, vector<16xf32>,
      %swap3A_197 = vector.shape_cast %swap3A_196 : vector<16xf32> to vector<16xf32>
      %swap3A_198 = vector.shape_cast %add3A_194 : vector<16xf32> to vector<16xf32>
      tpu.vector_store %arg16[%swap3A_195], %swap3A_198 {strides = array<i32>} : memref<512xf32, #tpu.memory_space<vmem>>, vector<16xf32>,
    }
    %scan3A_185 = arith.constant 32 : i32
    "tpu.region"() ({
      %run_scoped3A = tpu.sem_alloc : memref<!tpu.dma_semaphore, #tpu.memory_space<semaphore_mem>>
      %dma_start3A_186 = arith.constant 0 : i32
      %dma_start3A_187 = tpu.memref_slice %arg8[%add3A, %dma_start3A_186] : memref<32x16xf32, #tpu.memory_space<hbm>> -> memref<1x16xf32, #tpu.memory_space<hbm>>
      %dma_start3A_188 = tpu.memref_squeeze %dma_start3A_187 : memref<1x16xf32, #tpu.memory_space<hbm>> -> memref<16xf32, #tpu.memory_space<hbm>>
      %dma_start3A_189 = arith.constant 0 : i32
      %dma_start3A_190 = tpu.memref_slice %arg8[%add3A, %dma_start3A_189] : memref<32x16xf32, #tpu.memory_space<hbm>> -> memref<1x16xf32, #tpu.memory_space<hbm>>
      %dma_start3A_191 = tpu.memref_squeeze %dma_start3A_190 : memref<1x16xf32, #tpu.memory_space<hbm>> -> memref<16xf32, #tpu.memory_space<hbm>>
      tpu.enqueue_dma source(%arg17 : memref<16xf32, #tpu.memory_space<vmem>>) target(%dma_start3A_191 : memref<16xf32, #tpu.memory_space<hbm>>) target_semaphore(%run_scoped3A : memref<!tpu.dma_semaphore, #tpu.memory_space<semaphore_mem>>)
      %dma_wait3A_192 = arith.constant 0 : i32
      %dma_wait3A_193 = tpu.memref_slice %arg8[%add3A, %dma_wait3A_192] : memref<32x16xf32, #tpu.memory_space<hbm>> -> memref<1x16xf32, #tpu.memory_space<hbm>>
      %dma_wait3A_194 = tpu.memref_squeeze %dma_wait3A_193 : memref<1x16xf32, #tpu.memory_space<hbm>> -> memref<16xf32, #tpu.memory_space<hbm>>
      %dma_wait3A_195 = arith.constant 0 : i32
      %dma_wait3A_196 = tpu.memref_slice %arg8[%add3A, %dma_wait3A_195] : memref<32x16xf32, #tpu.memory_space<hbm>> -> memref<1x16xf32, #tpu.memory_space<hbm>>
      %dma_wait3A_197 = tpu.memref_squeeze %dma_wait3A_196 : memref<1x16xf32, #tpu.memory_space<hbm>> -> memref<16xf32, #tpu.memory_space<hbm>>
      tpu.wait_dma2 semaphore(%run_scoped3A : memref<!tpu.dma_semaphore, #tpu.memory_space<semaphore_mem>>) src(%arg17 : memref<16xf32, #tpu.memory_space<vmem>>) dst(%dma_wait3A_197 : memref<16xf32, #tpu.memory_space<hbm>>)
      tpu.yield
    }) : () -> ()
    "tpu.region"() ({
      %run_scoped3A = tpu.sem_alloc : memref<!tpu.dma_semaphore, #tpu.memory_space<semaphore_mem>>
      %dma_start3A_186 = tpu.memref_slice %arg9[%mul3A_2] : memref<16384xf32, #tpu.memory_space<hbm>> -> memref<512xf32, #tpu.memory_space<hbm>>
      %dma_start3A_187 = tpu.memref_slice %arg9[%mul3A_2] : memref<16384xf32, #tpu.memory_space<hbm>> -> memref<512xf32, #tpu.memory_space<hbm>>
      tpu.enqueue_dma source(%arg16 : memref<512xf32, #tpu.memory_space<vmem>>) target(%dma_start3A_187 : memref<512xf32, #tpu.memory_space<hbm>>) target_semaphore(%run_scoped3A : memref<!tpu.dma_semaphore, #tpu.memory_space<semaphore_mem>>)
      %dma_wait3A_188 = tpu.memref_slice %arg9[%mul3A_2] : memref<16384xf32, #tpu.memory_space<hbm>> -> memref<512xf32, #tpu.memory_space<hbm>>
      %dma_wait3A_189 = tpu.memref_slice %arg9[%mul3A_2] : memref<16384xf32, #tpu.memory_space<hbm>> -> memref<512xf32, #tpu.memory_space<hbm>>
      tpu.wait_dma2 semaphore(%run_scoped3A : memref<!tpu.dma_semaphore, #tpu.memory_space<semaphore_mem>>) src(%arg16 : memref<512xf32, #tpu.memory_space<vmem>>) dst(%dma_wait3A_189 : memref<512xf32, #tpu.memory_space<hbm>>)
      tpu.yield
    }) : () -> ()
    return
  }
}

module attributes {stable_mosaic.version = 14 : i64} {
  func.func @_tc_final(%arg0: memref<32x16xf32, #tpu.memory_space<vmem>>, %arg1: memref<128x128xf32, #tpu.memory_space<vmem>>, %arg2: memref<128x128xf32, #tpu.memory_space<vmem>>) attributes {dimension_semantics = [], scalar_prefetch = 0 : i64, scratch_operands = 0 : i64, tpu.core_type = #tpu.core_type<tc>} {
    %get3A = arith.constant 0 : index
    %get3A_0 = arith.constant 0 : index
    %get3A_1 = vector.load %arg0[%get3A, %get3A_0] : memref<32x16xf32, #tpu.memory_space<vmem>>, vector<32x16xf32>
    %reduce_sum3A = vector.shape_cast %get3A_1 : vector<32x16xf32> to vector<1x32x16xf32>
    %reduce_sum3A_2 = arith.constant dense<0.000000e+00> : vector<1xf32>
    %reduce_sum3A_3 = vector.multi_reduction <add>, %reduce_sum3A, %reduce_sum3A_2 [1, 2] : vector<1x32x16xf32> to vector<1xf32>
    %reduce_sum3A_4 = vector.shape_cast %reduce_sum3A_3 : vector<1xf32> to vector<1x1x1xf32>
    %reduce_sum3A_5 = vector.extract %reduce_sum3A_4[0, 0, 0] : f32 from vector<1x1x1xf32>
    %get3A_6 = arith.constant 0 : index
    %get3A_7 = arith.constant 0 : index
    %get3A_8 = vector.load %arg1[%get3A_6, %get3A_7] : memref<128x128xf32, #tpu.memory_space<vmem>>, vector<128x128xf32>
    %add3A = vector.broadcast %reduce_sum3A_5 : f32 to vector<128x128xf32>
    %add3A_9 = arith.addf %get3A_8, %add3A : vector<128x128xf32>
    %logistic3A = arith.negf %add3A_9 : vector<128x128xf32>
    %logistic3A_10 = math.exp %logistic3A : vector<128x128xf32>
    %logistic3A_11 = arith.constant 1.000000e+00 : f32
    %logistic3A_12 = vector.broadcast %logistic3A_11 : f32 to vector<128x128xf32>
    %logistic3A_13 = arith.addf %logistic3A_12, %logistic3A_10 : vector<128x128xf32>
    %logistic3A_14 = arith.divf %logistic3A_12, %logistic3A_13 : vector<128x128xf32>
    %swap3A = arith.constant 0 : index
    %swap3A_15 = arith.constant 0 : index
    %swap3A_16 = vector.load %arg2[%swap3A, %swap3A_15] : memref<128x128xf32, #tpu.memory_space<vmem>>, vector<128x128xf32>
    tpu.vector_store %arg2[%swap3A, %swap3A_15], %logistic3A_14 {strides = array<i32>} : memref<128x128xf32, #tpu.memory_space<vmem>>, vector<128x128xf32>,
    return
  }
}

</mosaic_0001>

<sc_bundles>
// kernel: kernel.4.cloned.1.call-start
scs
__scs_entry_jumppad:
0x0: {  	(pc) =	sbr.rel $0x88, $3  }
0x1: {  	(tag) =	ssettag $0x0;
	lr =	simm.s32 $0x1  }
0x2: {  	[smem:$0x3F9C] =	sst lr;
	_ =	strace $0xD0000000  }
0x3: {  	_ = 	snop  }
0x4: {  	_ = 	snop  }
0x5: {  	_ = 	snop  }
0x6: {  	_ = 	snop  }
0x7: {  	_ = 	snop  }
__scs_overlays_trampoline_lowered:
0x8: {  	[smem:$0x3FAB] =	sst s0  }
0x9: {  	[smem:$0x3FAC] =	sst s1  }
0xa: {  	[smem:$0x3FAD] =	sst s2  }
0xb: {  	[smem:$0x3FAE] =	sst s3  }
0xc: {  	[smem:$0x3FAF] =	sst s4  }
0xd: {  	[smem:$0x3FB0] =	sst s5  }
0xe: {  	[smem:$0x3FB1] =	sst s6  }
0xf: {  	[smem:$0x3FB2] =	sst s7  }
0x10: {  	[smem:$0x3FB3] =	sst s8  }
0x11: {  	[smem:$0x3FB4] =	sst s9;
	s0 =	simm.s32 @!p0 $0x0  }
0x12: {  	s1 =	sld [smem:$0x3F9A];
	s0 =	simm.s32 @p0 $0x1  }
0x13: {  	[smem:$0x3FB5] =	sst s0;
	s0 =	simm.s32 @!p1 $0x0  }
0x14: {  	s2 =	sld [smem:$0x3F99];
	s0 =	simm.s32 @p1 $0x1  }
0x15: {  	[smem:$0x3FB6] =	sst s0;
	s0 =	simm.s32 @!p2 $0x0  }
0x16: {  	s3 =	sld [smem:$0x3FDB];
	s0 =	simm.s32 @p2 $0x1  }
0x17: {  	s4 =	simm.s32 $0x1BF5;
	[smem:$0x3FB8] =	sst s0  }
0x18: {  	s0 =	sld [smem:$0x3F9B];
	_ =	swait.ge [sflag:s4], $0x0  }
0x19: {  	s7 =	sld [smem:$0x3F9C]  }
0x1a: {  	s8 =	sadd.s32 $0xFFFFE003, lr  }
0x1b: {  	s9 =	sadd.s32 $0xFFFFFEF7, lr;
	s5 =	simm.s32 $0xFFFFFFFF;
	p2 =	slt.u32 s8, $0xFFFFF086  }
0x1c: {  	p1 =	slt.u32 s9, $0xF7A;
	s5 =	simm.s32 @!p2 $0x0  }
0x1d: {  	s5 =	simm.s32 @p1 $0x1;
	p0 =	seq.s32 s7, s2  }
0x1e: {  	s7 =	smul.u32 @!p0 $0xF7A, s2;
	p2 =	seq.s32 @!p0 s5, $0x0  }
0x1f: {  	s9 =	smul.u32 $0xF7A, s1;
	s8 =	simm.s32 @!p0 $0x1BF5;
	p2 =	por !p2, p0  }
0x20: {  	[sflag:s8] =	ssyncset.s32 @!p0 $0xFFFFF086;
	s6 =	sadd.s32 @!p0 s3, s7;
	s7 =	simm.s32 @!p0 $0x108  }
0x21: {  	s3 =	sadd.s32 s3, s9;
	s6 =	sadd.s32 @!p0 $0x88, s6;
	s7 =	simm.s32 @p2 $0x1082  }
0x22: {  	[simem:s7], [sflag:s8] =	dma.local @!p0 [hbm:s6], $0xF7A  }
0x23: {  	s9 =	sor.u32 $0xD0000000, s2;
	s6 =	simm.s32 $0x108;
	_ =	swait.ge @!p0 [sflag:s8], $0x0  }
0x24: {  	s3 =	sadd.s32 $0x88, s3;
	s6 =	simm.s32 @!p1 $0x1082;
	[sflag:s4] =	ssyncset.s32 $0xFFFFF086  }
0x25: {  	[simem:s6], [sflag:s4] =	dma.local [hbm:s3], $0xF7A  }
0x26: {  	[smem:$0x3F9C] =	sst s1;
	(tag) =	ssettag s2;
	_ =	strace s9  }
0x27: {  	s1 =	sld [smem:$0x3FAC]  }
0x28: {  	s2 =	sld [smem:$0x3FAD]  }
0x29: {  	s4 =	sld [smem:$0x3FAF]  }
0x2a: {  	p0 =	seq.s32 s5, $0x0;
	s5 =	sld [smem:$0x3FB0]  }
0x2b: {  	s6 =	sld [smem:$0x3FB1]  }
0x2c: {  	s7 =	sld [smem:$0x3FB2]  }
0x2d: {  	s3 =	simm.s32 $0x108;
	s8 =	sld [smem:$0x3FB3]  }
0x2e: {  	s3 =	simm.s32 @!p0 $0x1082;
	s9 =	sld [smem:$0x3FB4]  }
0x2f: {  	lr =	sadd.s32 s0, s3;
	s0 =	sld [smem:$0x3FAB]  }
0x30: {  	s3 =	sld [smem:$0x3FAE]  }
0x31: {  	[smem:$0x3FB7] =	sst s10  }
0x32: {  	s10 =	sld [smem:$0x3FB5];
	_ =	sdelay $0x3  }
0x33: {  	p0 =	seq.s32 s10, $0x1;
	s10 =	sld [smem:$0x3FB7];
	_ =	sdelay $0x3  }
0x34: {  	[smem:$0x3FB7] =	sst s10  }
0x35: {  	s10 =	sld [smem:$0x3FB6];
	_ =	sdelay $0x3  }
0x36: {  	p1 =	seq.s32 s10, $0x1;
	s10 =	sld [smem:$0x3FB7];
	_ =	sdelay $0x3  }
0x37: {  	[smem:$0x3FB7] =	sst s10  }
0x38: {  	s10 =	sld [smem:$0x3FB8]  }
0x39: {  	_ = 	snop;
	(pc) =	sbr.ind lr, $3  }
0x3a: {  	_ = 	snop  }
0x3b: {  	_ = 	snop  }
0x3c: {  	p2 =	seq.s32 s10, $0x1;
	s10 =	sld [smem:$0x3FB7]  }
0x3d: {  	_ =	shalt  }
0x3e: {  	_ =	shalt  }
0x3f: {  	_ =	shalt  }
0x40: {  	_ =	shalt  }
0x41: {  	_ =	shalt  }
0x42: {  	_ =	shalt  }
0x43: {  	_ =	shalt  }
0x44: {  	_ =	shalt  }
0x45: {  	_ =	shalt  }
0x46: {  	_ =	shalt  }
0x47: {  	_ =	shalt  }
0x48: {  	_ =	shalt  }
0x49: {  	_ =	shalt  }
0x4a: {  	_ =	shalt  }
0x4b: {  	_ =	shalt  }
0x4c: {  	_ =	shalt  }
0x4d: {  	_ =	shalt  }
0x4e: {  	_ =	shalt  }
0x4f: {  	_ =	shalt  }
0x50: {  	_ =	shalt  }
0x51: {  	_ =	shalt  }
0x52: {  	_ =	shalt  }
0x53: {  	_ =	shalt  }
0x54: {  	_ =	shalt  }
0x55: {  	_ =	shalt  }
0x56: {  	_ =	shalt  }
0x57: {  	_ =	shalt  }
0x58: {  	_ =	shalt  }
0x59: {  	_ =	shalt  }
0x5a: {  	_ =	shalt  }
0x5b: {  	_ =	shalt  }
0x5c: {  	_ =	shalt  }
0x5d: {  	_ =	shalt  }
0x5e: {  	_ =	shalt  }
0x5f: {  	_ =	shalt  }
0x60: {  	_ =	shalt  }
0x61: {  	_ =	shalt  }
0x62: {  	_ =	shalt  }
0x63: {  	_ =	shalt  }
0x64: {  	_ =	shalt  }
0x65: {  	_ =	shalt  }
0x66: {  	_ =	shalt  }
0x67: {  	_ =	shalt  }
0x68: {  	_ =	shalt  }
0x69: {  	_ =	shalt  }
0x6a: {  	_ =	shalt  }
0x6b: {  	_ =	shalt  }
0x6c: {  	_ =	shalt  }
0x6d: {  	_ =	shalt  }
0x6e: {  	_ =	shalt  }
0x6f: {  	_ =	shalt  }
0x70: {  	_ =	shalt  }
0x71: {  	_ =	shalt  }
0x72: {  	_ =	shalt  }
0x73: {  	_ =	shalt  }
0x74: {  	_ =	shalt  }
0x75: {  	_ =	shalt  }
0x76: {  	_ =	shalt  }
0x77: {  	_ =	shalt  }
0x78: {  	_ =	shalt  }
0x79: {  	_ =	shalt  }
0x7a: {  	_ =	shalt  }
0x7b: {  	_ =	shalt  }
0x7c: {  	_ =	shalt  }
0x7d: {  	_ =	shalt  }
0x7e: {  	_ =	shalt  }
0x7f: {  	_ =	shalt  }
0x80: {  	_ =	shalt  }
0x81: {  	_ =	shalt  }
0x82: {  	_ =	shalt  }
0x83: {  	_ =	shalt  }
0x84: {  	_ =	shalt  }
0x85: {  	_ =	shalt  }
0x86: {  	_ =	shalt  }
0x87: {  	_ =	shalt  }
.Lfunc_end0:
.L_simem_size_0:
called_computation_lowered:
.L_overlay_start_0:
0x88: {  	s2 =	sld [smem:$0x3FD9]  }
0x89: {  	s3 =	sld [smem:$0x3FFE];
	_ =	sdelay $0x1  }
0x8a: {  	s1 =	srdreg.scid  }
0x8b: {  	s0 =	sand.u32 $0x1, s1  }
0x8c: {  	s17 =	sshll.u32 s0, $0xA;
	s2 =	sadd.s32 s3, s2  }
0x8d: {  	s2 =	sadd.s32 s2, s17  }
0x8e: {  	[smem:$0x3FC3] =	sst s2  }
0x8f: {  	_ = 	snop  }
0x90: {  	s2 =	sld [smem:$0x3FD0];
	(tm) =	ssettm $0x1  }
0x91: {  	s18 =	sld [smem:$0x3FFB];
	_ =	sdelay $0x3  }
0x92: {  	_ =	strace s18  }
0x93: {  	s3 =	sld [smem:$0x3FFC];
	_ =	sdelay $0x3  }
0x94: {  	_ =	strace s3  }
0x95: {  	s3 =	sld [smem:$0x3FFD];
	_ =	sdelay $0x3  }
0x96: {  	_ =	strace s3  }
0x97: {  	_ =	strace $0x8FFFFFFF  }
0x98: {  	s19 =	sld [smem:$0x3FDB];
	_ =	sdelay $0x1  }
0x99: {  	s4 =	simm.s32 $_scs_section_size  }
0x9a: {  	s5 =	simm.s32 $_size__tile_overlayer_lowered;
	s6 =	simm.s32 $_tile_overlayer_lowered  }
0x9b: {  	s22 =	simm.s32 $0x1BFF;
	s21 =	sshll.u32 s6, $0x1;
	s3 =	sadd.s32 s4, s19  }
0x9c: {  	s7 =	simm.s32 $0x0;
	s20 =	sshll.u32 s5, $0x1;
	s5 =	sadd.s32 s21, s3  }
0x9d: {  	[timem:s7], [sflag:s22] =	dma.local [hbm:s5], s20  }
0x9e: {  	_ =	swait.ge [sflag:s22], s20  }
0x9f: {  	s4 =	ssub.s32 $0x0, s20;
	[sflag:s22] =	ssyncset.done $0x0  }
0xa0: {  	[sflag:s22] =	ssyncadd.s32 s4;
	_ =	sdelay $0x1  }
0xa1: {  	s23 =	simm.s32 $0x1B8B  }
0xa2: {  	_ =	swait.ge [sflag:s23], $0x1  }
0xa3: {  	[sflag:s23] =	ssyncset.done $0x0  }
0xa4: {  	s25 =	simm.s32 $0x1B8E;
	s24 =	sld [smem:$0x3FFE];
	[sflag:s23] =	ssyncadd.s32 $0xFFFFFFFF  }
0xa5: {  	s26 =	simm.s32 $execute0_lowered;
	[smem:$0x3FD2] =	sst s25  }
0xa6: {  	s5 =	sshll.u32 s26, $0x1;
	_ =	strace $0x80000046;
	[dreg:$0x1] =	wrdreg $0xFFFFFFFF  }
0xa7: {  	s28 =	simm.s32 $_size_execute0_lowered;
	s3 =	sadd.s32 s3, s5;
	[dreg:$0x0] =	wrdreg $0x0  }
0xa8: {  	s5 =	sshll.u32 s28, $0x1;
	[dreg:$0x2] =	wrdreg s3  }
0xa9: {  	[dreg:$0x3] =	wrdreg s5  }
0xaa: {  	[dreg:$0x4] =	wrdreg $0xC0  }
0xab: {  	_ =	task [dreg:s7], $0x5FFFF  }
0xac: {  	[dreg:$0x1] =	wrdreg $0xFFFFFFFF  }
0xad: {  	[dreg:$0x0] =	wrdreg $0x60  }
0xae: {  	[dreg:$0x2] =	wrdreg s24  }
0xaf: {  	[dreg:$0x3] =	wrdreg s2  }
0xb0: {  	[dreg:$0x4] =	wrdreg $0x9  }
0xb1: {  	_ =	task.clear_ibuf [dreg:s7], $0x5FFFF;
	_ =	strace $0x90000046  }
0xb2: {  	s29 =	simm.s32 $0x9;
	_ =	strace $0x80000048  }
0xb3: {  	_ =	swait.ge [sflag:s29], $0x1  }
0xb4: {  	[sflag:s29] =	ssyncadd.s32 $0xFFFFFFFF  }
0xb5: {  	_ =	strace $0x90000048  }
0xb6: {  	_ =	sfence  }
0xb7: {  	s30 =	sld [smem:$0x0];
	_ =	sdelay $0x2  }
0xb8: {  	s31 =	sshll.u32 s1, $0xD;
	s1 =	sshrl.u32 s1, $0x2  }
0xb9: {  	s3 =	sand.u32 $0x4000, s31;
	s1 =	sadd.s32 s1, s30  }
0xba: {  	s0 =	sor.u32 s3, s0;
	s1 =	sshll.u32 s1, $0x11  }
0xbb: {  	s0 =	sor.u32 s1, s0  }
0xbc: {  	s0 =	sadd.s32 $0x8F2B, s0  }
0xbd: {  	[sflag:s0] =	ssyncadd.remote.s32 $0x1  }
0xbe: {  	_ =	sfence.sel $0xFFFF  }
0xbf: {  	[dreg:$0x0] =	wrdreg $0xFFFFFFFF;
	(pc) =	sbr.abs _section_cstart, $3  }
0xc0: {  	[dreg:$0x1] =	wrdreg $0xFFFFFFFF  }
0xc1: {  	_ =	task.clear_ibuf [dreg:s7], $0x2FFFF;
	_ =	strace $0x9FFFFFFF  }
0xc2: {  	(tm) =	ssettm $0x7FFFFFFF  }
0xc3: {  	_ =	shalt  }
tec
execute0_lowered:
.L_overlay_start_1:
0x0: {  	(tag) =	ssettag $0x1  }
0x1: {  	s0 =	rddreg [dreg:$0x0]  }
0x2: {  	s2 =	rddreg [dreg:$0x1];
	s1 =	simm.s32 $0x0  }
0x3: {  	s5 =	srdreg.scid;
	s9 =	stileid.u32;
	s12 =	simm.s32 $0x4  }
0x4: {  	s13 =	simm.s32 $0x200;
	s14 =	simm.s32 $0x80;
	s24 =	simm.s32 $0x180  }
0x5: {  	s25 =	simm.s32 $0x4580;
	s26 =	simm.s32 $0x380;
	s28 =	simm.s32 $0x4780  }
0x6: {  	s29 =	simm.s32 $0x400;
	s30 =	simm.s32 $0x2400;
	s31 =	simm.s32 $0x3  }
0x7: {  	s15 =	simm.s32 $0x0;
	[smem:$0x7FF] =	sst s1;
	s3 =	sadd.s32 $0xF43400, s0  }
0x8: {  	s4 =	sadd.s32 $0x1000, s0;
	s7 =	sand.u32 $0x1, s5;
	s5 =	sadd.s32 $0x187A00, s0  }
0x9: {  	s6 =	sadd.s32 $0x1FA00, s0;
	s8 =	sshll.u32 s7, $0x4;
	s7 =	ssub.s32 $0x2, s7  }
0xa: {  	_ =	strace $0x80000047;
	s8 =	sor.u32 s9, s8;
	s10 =	sshrl.u32 s7, $0x1  }
0xb: {  	s9 =	sshll.u32 s8, $0x1;
	s8 =	sshll.u32 s8, $0x6;
	s11 =	ssub.s32 s7, s10  }
0xc: {  	s9 =	sadd.s32 s9, s0;
	s0 =	sadd.s32 s8, s0;
	s8 =	sadd.s32 s2, s8  }
0xd: {  	s11 =	smax.u32 s11, $0x1;
	s2 =	simm.s32 $0x4800;
	s7 =	sadd.s32 $0x800, s0  }
0xe: {  	s9 =	sadd.s32 $0x22C00, s9;
	s10 =	sadd.s32 $0x22E00, s0;
	s0 =	simm.s32 $0x4A00  }
.LBB2_1:
0xf: {  	[tilespmem:s1], [sflag:$0x4] =	stream.linear.gather [hbm4b:s7+s1], $0x200, $0x38;
	[tilespmem:$0x4A10] =	vst v63  }
0x10: {  	_ =	swait.ge [sflag:s12], $0x200  }
0x11: {  	[sflag:s12] =	ssyncset.done $0x0  }
0x12: {  	[sflag:s12] =	ssyncadd.s32 $0xFFFFFE00  }
0x13: {  	[tilespmem:s13], [sflag:$0x4] =	stream.linear.gather [hbm4b:s8+s1], $0x200, $0x38;
	[tilespmem:$0x4A10] =	vst v63  }
0x14: {  	_ =	swait.ge [sflag:s12], $0x200  }
0x15: {  	[sflag:s12] =	ssyncset.done $0x0  }
0x16: {  	s16 =	simm.s32 $0x4400;
	[sflag:s12] =	ssyncadd.s32 $0xFFFFFE00  }
0x17: {  	[tilespmem:s16], [sflag:$0x3] =	stream.indirect.gather [hbm4b:s4+s14], $0x1, s1, s14, $0xb8;
	[tilespmem:$0x4A10] =	vst v63  }
0x18: {  	s17 =	simm.s32 $0x4600  }
0x19: {  	[tilespmem:s17], [sflag:$0x3] =	stream.indirect.gather [hbm4b:s6+s14], $0x1, s13, s14, $0xb8;
	[tilespmem:$0x4A10] =	vst v63  }
0x1a: {  	s18 =	simm.s32 $0x4480  }
0x1b: {  	[tilespmem:s18], [sflag:$0x3] =	stream.indirect.gather [hbm4b:s4+s14], $0x1, s14, s14, $0xb8;
	[tilespmem:$0x4A10] =	vst v63  }
0x1c: {  	s19 =	simm.s32 $0x280;
	s17 =	simm.s32 $0x4680  }
0x1d: {  	[tilespmem:s17], [sflag:$0x3] =	stream.indirect.gather [hbm4b:s6+s14], $0x1, s19, s14, $0xb8;
	[tilespmem:$0x4A10] =	vst v63  }
0x1e: {  	s20 =	simm.s32 $0x100;
	s21 =	simm.s32 $0x4500  }
0x1f: {  	[tilespmem:s21], [sflag:$0x3] =	stream.indirect.gather [hbm4b:s4+s14], $0x1, s20, s14, $0xb8;
	[tilespmem:$0x4A10] =	vst v63  }
0x20: {  	s22 =	simm.s32 $0x300;
	s23 =	simm.s32 $0x4700  }
0x21: {  	[tilespmem:s23], [sflag:$0x3] =	stream.indirect.gather [hbm4b:s6+s14], $0x1, s22, s14, $0xb8;
	[tilespmem:$0x4A10] =	vst v63  }
0x22: {  	_ = 	snop  }
0x23: {  	[tilespmem:s25], [sflag:$0x3] =	stream.indirect.gather [hbm4b:s4+s14], $0x1, s24, s14, $0xb8;
	[tilespmem:$0x4A10] =	vst v63  }
0x24: {  	_ = 	snop  }
0x25: {  	[tilespmem:s28], [sflag:$0x3] =	stream.indirect.gather [hbm4b:s6+s14], $0x1, s26, s14, $0xb8;
	[tilespmem:$0x4A10] =	vst v63  }
0x26: {  	_ = 	snop  }
0x27: {  	[tilespmem:s29], [sflag:$0x1] =	stream.indirect.gather [hbm4b:s3+s14], $0x20, s1, s14, $0xb8;
	[tilespmem:$0x4A10] =	vst v63  }
0x28: {  	p0 =	por $0x0, $0x0;
	s16 =	simm.s32 $0x0  }
0x29: {  	v2 =	vimm.f32 $0.0e+00;
	[tilespmem:s30], [sflag:$0x1] =	stream.indirect.gather [hbm4b:s5+s14], $0x20, s13, s14, $0xb8;
	[tilespmem:$0x4A10] =	vst v63  }
.LBB2_3:
0x2a: {  	s17 =	smov.u32 s16  }
0x2b: {  	s16 =	sadd.s32 $0x1, s16;
	s19 =	simm.s32 $0x1;
	p1 =	seq.s32 s17, $0x3  }
0x2c: {  	s19 =	simm.s32 @!p0 $0x0;
	s17 =	sand.u32 $0x1, s17;
	s18 =	sand.u32 @!p1 $0x1, s16  }
0x2d: {  	s22 =	sshll.u32 @!p1 s16, $0x7;
	s23 =	simm.s32 @!p1 $0x80;
	s20 =	sshll.u32 @!p1 s18, $0xC  }
0x2e: {  	s17 =	sadd.s32 $0x1, s17;
	s18 =	sadd.s32 @!p1 $0x1, s18;
	s21 =	sor.u32 @!p1 $0x400, s20  }
0x2f: {  	[tilespmem:s21], [sflag:s18] =	stream.indirect.gather @!p1 [hbm4b:s3+s23], $0x20, s22, s23, $0xb8;
	[tilespmem:$0x4A10] =	vst v63  }
0x30: {  	s20 =	sor.u32 @!p1 $0x2400, s20;
	s21 =	sadd.s32 @!p1 $0x200, s22;
	s22 =	sshll.u32 s19, $0xC  }
0x31: {  	[tilespmem:s20], [sflag:s18] =	stream.indirect.gather @!p1 [hbm4b:s5+s23], $0x20, s21, s23, $0xb8;
	[tilespmem:$0x4A10] =	vst v63  }
0x32: {  	s19 =	sor.u32 $0x440, s22;
	_ =	swait.ge [sflag:s17], $0x1000  }
0x33: {  	s18 =	sor.u32 $0x2440, s22;
	v1 =	vmov s19;
	[sflag:s17] =	ssyncset.done $0x0  }
0x34: {  	v0 =	vmov s18;
	[sflag:s17] =	ssyncadd.s32 $0xFFFFF000  }
0x35: {  	_ =	swait.ge [sflag:s17], $0x1000  }
0x36: {  	[sflag:s17] =	ssyncset.done $0x0  }
0x37: {  	s23 =	simm.s32 $0x0;
	[sflag:s17] =	ssyncadd.s32 $0xFFFFF000  }
0x38: {  	v3 =	vld.idx.msk [tilespmem:v1+s23+$0xFFFFFFC0 ss:$0x1], $0xffff  }
0x39: {  	v4 =	vld.idx.msk [tilespmem:v0+s23+$0xFFFFFFC0 ss:$0x1], $0xffff  }
0x3a: {  	v5 =	vld.idx.msk [tilespmem:v1+s23+$0xFFFFFFD0 ss:$0x1], $0xffff  }
0x3b: {  	v6 =	vld.idx.msk [tilespmem:v0+s23+$0xFFFFFFD0 ss:$0x1], $0xffff  }
0x3c: {  	v7 =	vld.idx.msk [tilespmem:v1+s23+$0xFFFFFFE0 ss:$0x1], $0xffff  }
0x3d: {  	v8 =	vld.idx.msk [tilespmem:v0+s23+$0xFFFFFFE0 ss:$0x1], $0xffff  }
0x3e: {  	v9 =	vld.idx.msk [tilespmem:v1+s23+$0xFFFFFFF0 ss:$0x1], $0xffff  }
0x3f: {  	v10 =	vld.idx.msk [tilespmem:v0+s23+$0xFFFFFFF0 ss:$0x1], $0xffff;
	v3 =	vmul.f32 v4, v3  }
0x40: {  	v11 =	vld.idx.msk [tilespmem:v1+s23+$0x0 ss:$0x1], $0xffff  }
0x41: {  	v12 =	vld.idx.msk [tilespmem:v0+s23+$0x0 ss:$0x1], $0xffff;
	v4 =	vmul.f32 v6, v5;
	v3 =	vadd.f32 v3, v2  }
0x42: {  	v5 =	vld.idx.msk [tilespmem:v0+s23+$0x10 ss:$0x1], $0xffff  }
0x43: {  	v7 =	vmul.f32 v8, v7;
	v6 =	vld.idx.msk [tilespmem:v0+s23+$0x20 ss:$0x1], $0xffff;
	v4 =	vadd.f32 v4, v3  }
0x44: {  	v2 =	vld.idx.msk [tilespmem:v1+s23+$0x10 ss:$0x1], $0xffff  }
0x45: {  	v9 =	vmul.f32 v10, v9;
	v8 =	vld.idx.msk [tilespmem:v0+s23+$0x30 ss:$0x1], $0xffff;
	v7 =	vadd.f32 v7, v4  }
0x46: {  	v3 =	vld.idx.msk [tilespmem:v1+s23+$0x20 ss:$0x1], $0xffff  }
0x47: {  	s17 =	simm.s32 $0x80;
	v10 =	vmul.f32 v12, v11;
	v4 =	vld.idx.msk [tilespmem:v1+s23+$0x30 ss:$0x1], $0xffff;
	v9 =	vadd.f32 v9, v7  }
0x48: {  	s18 =	simm.s32 $0x400;
	v7 =	vld.idx.msk [tilespmem:v1+s17+$0xFFFFFFC0 ss:$0x1], $0xffff  }
.LBB2_4:
0x49: {  	p1 =	seq.s32 s18, $0x3E00;
	v11 =	vld.idx.msk [tilespmem:v0+s17+$0xFFFFFFC0 ss:$0x1], $0xffff;
	v9 =	vadd.f32 v10, v9;
	v2 =	vmul.f32 v5, v2  }
0x4a: {  	v5 =	vld.idx.msk [tilespmem:v1+s17+$0xFFFFFFD0 ss:$0x1], $0xffff  }
0x4b: {  	v3 =	vmul.f32 v6, v3;
	v10 =	vld.idx.msk [tilespmem:v0+s17+$0xFFFFFFD0 ss:$0x1], $0xffff;
	v2 =	vadd.f32 v2, v9  }
0x4c: {  	v6 =	vld.idx.msk [tilespmem:v1+s17+$0xFFFFFFE0 ss:$0x1], $0xffff  }
0x4d: {  	v9 =	vld.idx.msk [tilespmem:v0+s17+$0xFFFFFFE0 ss:$0x1], $0xffff;
	v2 =	vadd.f32 v3, v2;
	v3 =	vmul.f32 v8, v4  }
0x4e: {  	v4 =	vld.idx.msk [tilespmem:v1+s17+$0xFFFFFFF0 ss:$0x1], $0xffff  }
0x4f: {  	v7 =	vmul.f32 v11, v7;
	v8 =	vld.idx.msk [tilespmem:v0+s17+$0xFFFFFFF0 ss:$0x1], $0xffff;
	v2 =	vadd.f32 v3, v2  }
0x50: {  	v11 =	vld.idx.msk [tilespmem:v1+s17+$0x0 ss:$0x1], $0xffff  }
0x51: {  	v5 =	vmul.f32 v10, v5;
	v3 =	vadd.f32 v7, v2;
	v7 =	vld.idx.msk [tilespmem:v0+s17+$0x0 ss:$0x1], $0xffff  }
0x52: {  	v2 =	vld.idx.msk [tilespmem:v1+s17+$0x10 ss:$0x1], $0xffff  }
0x53: {  	v6 =	vmul.f32 v9, v6;
	v10 =	vadd.f32 v5, v3;
	v5 =	vld.idx.msk [tilespmem:v0+s17+$0x10 ss:$0x1], $0xffff  }
.Ltmp0:
0x54: {  	v3 =	vld.idx.msk [tilespmem:v1+s17+$0x20 ss:$0x1], $0xffff;
	(pc) =	sbr.rel @!p1 .LBB2_4-.Ltmp0, $4  }
0x55: {  	v8 =	vmul.f32 v8, v4;
	v9 =	vadd.f32 v6, v10;
	v6 =	vld.idx.msk [tilespmem:v0+s17+$0x20 ss:$0x1], $0xffff  }
0x56: {  	v4 =	vld.idx.msk [tilespmem:v1+s17+$0x30 ss:$0x1], $0xffff  }
0x57: {  	v10 =	vmul.f32 v7, v11;
	v9 =	vadd.f32 v8, v9;
	v8 =	vld.idx.msk [tilespmem:v0+s17+$0x30 ss:$0x1], $0xffff;
	s17 =	sshra.s32 s18, $0x2  }
0x58: {  	s18 =	sadd.s32 $0x200, s18;
	v7 =	vld.idx.msk [tilespmem:v1+s17+$0xFFFFFFC0 ss:$0x1], $0xffff  }
0x59: {  	_ =	sdelay $0x2  }
0x5a: {  	v9 =	vadd.f32 v10, v9;
	v2 =	vmul.f32 v5, v2  }
0x5b: {  	v51 =	vld.idx.msk [tilespmem:v0+s17+$0xFFFFFFC0 ss:$0x1], $0xffff  }
0x5c: {  	v52 =	vld.idx.msk [tilespmem:v1+s17+$0xFFFFFFD0 ss:$0x1], $0xffff;
	v3 =	vmul.f32 v6, v3;
	v2 =	vadd.f32 v2, v9  }
0x5d: {  	v53 =	vld.idx.msk [tilespmem:v0+s17+$0xFFFFFFD0 ss:$0x1], $0xffff  }
0x5e: {  	v54 =	vld.idx.msk [tilespmem:v1+s17+$0xFFFFFFE0 ss:$0x1], $0xffff;
	v2 =	vadd.f32 v3, v2;
	v3 =	vmul.f32 v8, v4  }
0x5f: {  	v55 =	vld.idx.msk [tilespmem:v0+s17+$0xFFFFFFE0 ss:$0x1], $0xffff  }
0x60: {  	v56 =	vld.idx.msk [tilespmem:v1+s17+$0xFFFFFFF0 ss:$0x1], $0xffff;
	v5 =	vmul.f32 v51, v7;
	v2 =	vadd.f32 v3, v2  }
0x61: {  	v3 =	vld.idx.msk [tilespmem:v0+s17+$0xFFFFFFF0 ss:$0x1], $0xffff  }
0x62: {  	v57 =	vld.idx.msk [tilespmem:v1+s17+$0x0 ss:$0x1], $0xffff;
	v58 =	vmul.f32 v53, v52;
	v2 =	vadd.f32 v5, v2  }
0x63: {  	v59 =	vld.idx.msk [tilespmem:v0+s17+$0x0 ss:$0x1], $0xffff  }
0x64: {  	v60 =	vld.idx.msk [tilespmem:v1+s17+$0x10 ss:$0x1], $0xffff;
	v4 =	vmul.f32 v55, v54;
	v2 =	vadd.f32 v58, v2  }
0x65: {  	v61 =	vld.idx.msk [tilespmem:v0+s17+$0x10 ss:$0x1], $0xffff  }
0x66: {  	v62 =	vld.idx.msk [tilespmem:v1+s17+$0x20 ss:$0x1], $0xffff;
	v3 =	vmul.f32 v3, v56;
	v2 =	vadd.f32 v4, v2  }
0x67: {  	v63 =	vld.idx.msk [tilespmem:v0+s17+$0x20 ss:$0x1], $0xffff  }
0x68: {  	v1 =	vld.idx.msk [tilespmem:v1+s17+$0x30 ss:$0x1], $0xffff;
	v2 =	vadd.f32 v3, v2;
	v3 =	vmul.f32 v59, v57  }
0x69: {  	v0 =	vld.idx.msk [tilespmem:v0+s17+$0x30 ss:$0x1], $0xffff  }
0x6a: {  	v2 =	vadd.f32 v3, v2;
	v3 =	vmul.f32 v61, v60;
	_ =	sdelay $0x1  }
0x6b: {  	v2 =	vadd.f32 v3, v2;
	v3 =	vmul.f32 v63, v62;
	_ =	sdelay $0x1  }
0x6c: {  	v0 =	vmul.f32 v0, v1;
	v2 =	vadd.f32 v3, v2;
	_ =	sdelay $0x1  }
0x6d: {  	v2 =	vadd.f32 v0, v2  }
0x6e: {  	p1 =	seq.s32 s16, $0x4  }
.Ltmp1:
0x6f: {  	_ = 	snop;
	(pc) =	sbr.rel @!p1 .LBB2_3-.Ltmp1, $2  }
0x70: {  	_ =	sdelay $0x2  }
0x71: {  	p0 =	por !p0, !p0  }
0x72: {  	[tilespmem:$0x4A00] =	vst v2  }
0x73: {  	_ =	swait.ge [sflag:s31], $0x80  }
0x74: {  	[sflag:s31] =	ssyncset.done $0x0  }
0x75: {  	[sflag:s31] =	ssyncadd.s32 $0xFFFFFF80  }
0x76: {  	_ =	swait.ge [sflag:s31], $0x80  }
0x77: {  	[sflag:s31] =	ssyncset.done $0x0  }
0x78: {  	[sflag:s31] =	ssyncadd.s32 $0xFFFFFF80  }
0x79: {  	_ =	swait.ge [sflag:s31], $0x80  }
0x7a: {  	[sflag:s31] =	ssyncset.done $0x0  }
0x7b: {  	[sflag:s31] =	ssyncadd.s32 $0xFFFFFF80  }
0x7c: {  	_ =	swait.ge [sflag:s31], $0x80  }
0x7d: {  	[sflag:s31] =	ssyncset.done $0x0  }
0x7e: {  	[sflag:s31] =	ssyncadd.s32 $0xFFFFFF80  }
0x7f: {  	_ =	swait.ge [sflag:s31], $0x80  }
0x80: {  	[sflag:s31] =	ssyncset.done $0x0  }
0x81: {  	[sflag:s31] =	ssyncadd.s32 $0xFFFFFF80  }
0x82: {  	_ =	swait.ge [sflag:s31], $0x80  }
0x83: {  	[sflag:s31] =	ssyncset.done $0x0  }
0x84: {  	[sflag:s31] =	ssyncadd.s32 $0xFFFFFF80  }
0x85: {  	_ =	swait.ge [sflag:s31], $0x80  }
0x86: {  	[sflag:s31] =	ssyncset.done $0x0  }
0x87: {  	[sflag:s31] =	ssyncadd.s32 $0xFFFFFF80  }
0x88: {  	_ =	swait.ge [sflag:s31], $0x80  }
0x89: {  	[sflag:s31] =	ssyncset.done $0x0  }
0x8a: {  	s16 =	simm.s32 $0x0;
	[sflag:s31] =	ssyncadd.s32 $0xFFFFFF80  }
0x8b: {  	v0 =	vld [tilespmem:s16+$0x4400]  }
0x8c: {  	s17 =	simm.s32 $0x40;
	v1 =	vld [tilespmem:s16+$0x4600]  }
.LBB2_7:
0x8d: {  	_ = 	snop  }
0x8e: {  	p0 =	sne.s32 s17, $0x7C0  }
.Ltmp2:
0x8f: {  	_ = 	snop;
	(pc) =	sbr.rel @p0 .LBB2_7-.Ltmp2, $4  }
0x90: {  	_ = 	snop  }
0x91: {  	s18 =	sshra.s32 s17, $0x2;
	v2 =	vadd.f32 v1, v0  }
0x92: {  	v0 =	vld [tilespmem:s18+$0x4400]  }
0x93: {  	s17 =	sadd.s32 $0x40, s17;
	v1 =	vld [tilespmem:s18+$0x4600];
	[tilespmem:s16+$0x4800] =	vst v2;
	s16 =	smov.u32 s18  }
0x94: {  	_ =	sdelay $0x3  }
0x95: {  	v0 =	vadd.f32 v1, v0;
	_ =	sdelay $0x1  }
0x96: {  	[tilespmem:s16+$0x4800] =	vst v0  }
0x97: {  	[hbm4b:s9+s1] =	stream.linear.scatter [tilespmem:s0], [sflag:$0x4], $0x10, $0x38;
	[tilespmem:$0x4A10] =	vst v63  }
0x98: {  	s15 =	sadd.s32 $0x1, s15;
	_ =	swait.ge [sflag:s12], $0x10  }
0x99: {  	p0 =	sne.s32 s15, s11;
	[sflag:s12] =	ssyncset.done $0x0  }
.Ltmp3:
0x9a: {  	[sflag:s12] =	ssyncadd.s32 $0xFFFFFFF0;
	(pc) =	sbr.rel @p0 .LBB2_1-.Ltmp3, $4  }
0x9b: {  	[hbm4b:s10+s1] =	stream.linear.scatter [tilespmem:s2], [sflag:$0x4], $0x200, $0x38;
	[tilespmem:$0x4A10] =	vst v63  }
0x9c: {  	_ =	swait.ge [sflag:s12], $0x200  }
0x9d: {  	[sflag:s12] =	ssyncset.done $0x0  }
0x9e: {  	[sflag:s12] =	ssyncadd.s32 $0xFFFFFE00  }
0x9f: {  	_ =	sfence.sel $0x180000  }
0xa0: {  	[bflag:$0x0] =	sbarrier.arrive $0xFFFF  }
0xa1: {  	_ =	strace $0x90000047  }
0xa2: {  	s0 =	stileid.u32;
	[bflag:$0x2] =	sbarrier.arrive $0xFFFF  }
0xa3: {  	p0 =	sne.s32 s0, $0x0;
	s0 =	rddreg [dreg:$0x2]  }
0xa4: {  	s0 =	sadd.s32 @!p0 $0x100000, s0  }
0xa5: {  	[sflag:s0] =	ssyncadd.tile.s32 @!p0 $0x1;
	_ =	shalt  }
.Lfunc_end2:
_tile_overlayer_lowered:
.L_overlay_start_2:
0xa6: {  	(tag) =	ssettag $0x2  }
0xa7: {  	s0 =	rddreg [dreg:$0x0];
	s2 =	stileid.u32  }
0xa8: {  	s1 =	rddreg [dreg:$0x1];
	p0 =	sne.s32 s2, $0x0  }
0xa9: {  	s3 =	rddreg [dreg:$0x2];
	[bflag:$0x3] =	sbarrier.arrive $0xFFFF;
	s2 =	simm.s32 @!p0 $0x1C04  }
0xaa: {  	[timem:s3], [sflag:s2] =	dma.local @!p0 [hbm:s0], s1  }
0xab: {  	s0 =	simm.s32 @!p0 $0x4  }
0xac: {  	_ =	swait.ge @!p0 [sflag:s0], s1  }
0xad: {  	s1 =	ssub.s32 @!p0 $0x0, s1;
	[sflag:s0] =	ssyncset.done @!p0 $0x0  }
0xae: {  	[sflag:s0] =	ssyncadd.s32 @!p0 s1  }
0xaf: {  	[bflag:$0x3] =	sbarrier.arrive $0xFFFF  }
0xb0: {  	_ =	shalt  }

</sc_bundles>
